<compile_context>
chip_gen: v7x
topology: tpu7x:2x2x1
jax: 0.10.2.dev20260603
libtpu: 0.0.44.dev20260713+nightly
codegen_flags: <defaults>
</compile_context>

<pallas_src>
import functools

import jax
import jax.numpy as jnp
from jax import lax
from jax.experimental import pallas as pl
from jax.experimental.pallas import tpu as pltpu
from jax.experimental.pallas import tpu_sc as plsc

B, H, S, D = 8, 16, 2048, 128
L = 2048

NC, NS, NL = 2, 16, 16
NW = NC * NS
BH = B * H
BH_PER_W = BH // NW
CHUNK = 128
CHUNKS_PER_BH = S // CHUNK
P = BH_PER_W * CHUNKS_PER_BH
NPH = 3

_mesh = plsc.VectorSubcoreMesh(
    core_axis_name="c", subcore_axis_name="s", num_cores=NC, num_subcores=NS
)


@functools.partial(
    pl.kernel,
    out_type=(
        jax.ShapeDtypeStruct((BH * L, D), jnp.float32),
        jax.ShapeDtypeStruct((BH * L, D), jnp.float32),
    ),
    mesh=_mesh,
    scratch_types=(
        [pltpu.VMEM((P, CHUNK), jnp.int32),
         pltpu.VMEM((S,), jnp.int32)]
        + [pltpu.VMEM((CHUNK, D), jnp.float32)] * (2 * NPH)
        + [pltpu.SemaphoreType.DMA] * (4 * NPH)
    ),
)
def _fill_rows(pos_hbm, k_hbm, v_hbm, k_out, v_out,
               idx_all, posb, kb0, kb1, kb2, vb0, vb1, vb2,
               gk0, gk1, gk2, gv0, gv1, gv2,
               sk0, sk1, sk2, sv0, sv1, sv2):
    wid = lax.axis_index("s") * NC + lax.axis_index("c")
    wrow0 = wid * (BH_PER_W * S)
    kbufs, vbufs = (kb0, kb1, kb2), (vb0, vb1, vb2)
    gks, gvs = (gk0, gk1, gk2), (gv0, gv1, gv2)
    sks, svs = (sk0, sk1, sk2), (sv0, sv1, sv2)

    def gather(t, ph):
        r0 = wrow0 + t * CHUNK
        pltpu.async_copy(k_hbm.at[pl.ds(r0, CHUNK)], kbufs[ph], gks[ph])
        pltpu.async_copy(v_hbm.at[pl.ds(r0, CHUNK)], vbufs[ph], gvs[ph])

    def wait_gather(ph):
        pltpu.make_async_copy(k_hbm.at[pl.ds(0, CHUNK)], kbufs[ph], gks[ph]).wait()
        pltpu.make_async_copy(v_hbm.at[pl.ds(0, CHUNK)], vbufs[ph], gvs[ph]).wait()

    def scatter(t, ph):
        pltpu.async_copy(kbufs[ph], k_out.at[idx_all.at[t]], sks[ph])
        pltpu.async_copy(vbufs[ph], v_out.at[idx_all.at[t]], svs[ph])

    def wait_scatter(t, ph):
        pltpu.make_async_copy(kbufs[ph], k_out.at[idx_all.at[t]], sks[ph]).wait()
        pltpu.make_async_copy(vbufs[ph], v_out.at[idx_all.at[t]], svs[ph]).wait()

    pltpu.sync_copy(pos_hbm, posb)
    gather(0, 0)
    gather(1, 1)
    gather(2, 2)

    def idx_body(t, carry):
        base = (wid * BH_PER_W + t // CHUNKS_PER_BH) * L
        s0 = (t % CHUNKS_PER_BH) * CHUNK
        for i in range(CHUNK // NL):
            idx_all[t, pl.ds(i * NL, NL)] = posb[pl.ds(s0 + i * NL, NL)] + base
        return carry

    lax.fori_loop(0, P, idx_body, 0)

    wait_gather(0)
    scatter(0, 0)
    wait_gather(1)
    scatter(1, 1)

    def steady(q, carry):
        for j in range(NPH):
            p = 3 * q + 2 + j
            ph = (2 + j) % NPH
            nxt = j
            wait_scatter(p - 2, nxt)
            gather(p + 1, nxt)
            wait_gather(ph)
            scatter(p, ph)
        return carry

    lax.fori_loop(0, (P - 4) // NPH, steady, 0)

    wait_scatter(60, 0)
    gather(63, 0)
    wait_gather(2)
    scatter(62, 2)
    wait_scatter(61, 1)
    wait_gather(0)
    scatter(63, 0)
    wait_scatter(62, 2)
    wait_scatter(63, 0)


def kernel(input_pos, k_val, v_val, k_cache, v_cache, pos):
    k_flat = k_val.reshape(BH * S, D)
    v_flat = v_val.reshape(BH * S, D)
    k_out, v_out = _fill_rows(input_pos, k_flat, v_flat)
    return (k_out.reshape(B, H, L, D), v_out.reshape(B, H, L, D))

# --- scband reference (transcript-rebuilt; emitter-appended) ---
"""Pipeline reference for scband-kvcache-29240137351817 (READ-ONLY COPY).

The authoritative reference and input builder live on the scoring server;
editing this copy changes nothing except your own understanding.
"""

import jax, jax.numpy as jnp
import numpy as np

B, H, S, D = 8, 16, 2048, 128
L = 2048  # max_cache_length


def setup_inputs(seed: int = 0) -> dict:
    key = jax.random.key(seed)
    k1, k2 = jax.random.split(key)
    input_pos = jnp.arange(S, dtype=jnp.int32)
    k_val = jax.random.normal(k1, (B, H, S, D), dtype=jnp.float32)
    v_val = jax.random.normal(k2, (B, H, S, D), dtype=jnp.float32)
    # cache buffers (state registered in the torch module)
    k_cache = jnp.zeros((B, H, L, D), dtype=jnp.float32)
    v_cache = jnp.zeros((B, H, L, D), dtype=jnp.float32)
    pos = jnp.full((B, 1, L), -1, dtype=jnp.int32)
    return {
        "input_pos": input_pos,
        "k_val": k_val,
        "v_val": v_val,
        "k_cache": k_cache,
        "v_cache": v_cache,
        "pos": pos,
    }


def reference(input_pos, k_val, v_val, k_cache, v_cache, pos):
    # KVCache.update -> _update (fill at input_pos, standard full-cache behavior)
    # fill(): scatter-overwrite along the cache-length axis
    k_cache = k_cache.at[:, :, input_pos, :].set(k_val)
    v_cache = v_cache.at[:, :, input_pos, :].set(v_val)
    pos = pos.at[:, :, input_pos].set(input_pos.astype(jnp.int32)[None, None, :])
    # update() bookkeeping: insertions += input_pos.shape[0]
    insertions = input_pos.shape[0]
    truncate_idx = min(insertions, L)
    return (k_cache[:, :, :truncate_idx, :], v_cache[:, :, :truncate_idx, :])

if __name__ == "__main__":
    import jax
    _d = setup_inputs()
    print(jax.jit(kernel)(*tuple(_d.values())))

</pallas_src>

<mosaic_0001>
#map = affine_map<(d0, d1) -> (0)>
#map1 = affine_map<(d0, d1) -> (0, 0)>
module attributes {stable_mosaic.version = 14 : i64} {
  func.func @_fill_rows(%arg0: i32, %arg1: i32, %arg2: memref<2048xi32, #tpu.memory_space<hbm>>, %arg3: memref<262144x128xf32, #tpu.memory_space<hbm>>, %arg4: memref<262144x128xf32, #tpu.memory_space<hbm>>, %arg5: memref<262144x128xf32, #tpu.memory_space<hbm>>, %arg6: memref<262144x128xf32, #tpu.memory_space<hbm>>, %arg7: memref<64x128xi32, #tpu.memory_space<vmem>>, %arg8: memref<2048xi32, #tpu.memory_space<vmem>>, %arg9: memref<128x128xf32, #tpu.memory_space<vmem>>, %arg10: memref<128x128xf32, #tpu.memory_space<vmem>>, %arg11: memref<128x128xf32, #tpu.memory_space<vmem>>, %arg12: memref<128x128xf32, #tpu.memory_space<vmem>>, %arg13: memref<128x128xf32, #tpu.memory_space<vmem>>, %arg14: memref<128x128xf32, #tpu.memory_space<vmem>>, %arg15: memref<!tpu.dma_semaphore, #tpu.memory_space<semaphore_mem>>, %arg16: memref<!tpu.dma_semaphore, #tpu.memory_space<semaphore_mem>>, %arg17: memref<!tpu.dma_semaphore, #tpu.memory_space<semaphore_mem>>, %arg18: memref<!tpu.dma_semaphore, #tpu.memory_space<semaphore_mem>>, %arg19: memref<!tpu.dma_semaphore, #tpu.memory_space<semaphore_mem>>, %arg20: memref<!tpu.dma_semaphore, #tpu.memory_space<semaphore_mem>>, %arg21: memref<!tpu.dma_semaphore, #tpu.memory_space<semaphore_mem>>, %arg22: memref<!tpu.dma_semaphore, #tpu.memory_space<semaphore_mem>>, %arg23: memref<!tpu.dma_semaphore, #tpu.memory_space<semaphore_mem>>, %arg24: memref<!tpu.dma_semaphore, #tpu.memory_space<semaphore_mem>>, %arg25: memref<!tpu.dma_semaphore, #tpu.memory_space<semaphore_mem>>, %arg26: memref<!tpu.dma_semaphore, #tpu.memory_space<semaphore_mem>>) attributes {dimension_semantics = [#tpu.dimension_semantics<core_parallel>, #tpu.dimension_semantics<subcore_parallel>], iteration_bounds = array<i64: 2, 16>, scalar_prefetch = 0 : i64, scratch_operands = 20 : i64, tpu.core_type = #tpu.core_type<sc_vector_subcore>, window_params = [{transform_indices = #map}, {transform_indices = #map1}, {transform_indices = #map1}, {transform_indices = #map1}, {transform_indices = #map1}]} {
    %mul3A = arith.constant 2 : i32
    %mul3A_0 = arith.muli %arg1, %mul3A : i32
    %add3A = arith.addi %mul3A_0, %arg0 : i32
    %mul3A_1 = arith.constant 8192 : i32
    %mul3A_2 = arith.muli %add3A, %mul3A_1 : i32
    "tpu.region"() ({
      %run_scoped3A = tpu.sem_alloc : memref<!tpu.dma_semaphore, #tpu.memory_space<semaphore_mem>>
      tpu.enqueue_dma source(%arg2 : memref<2048xi32, #tpu.memory_space<hbm>>) target(%arg8 : memref<2048xi32, #tpu.memory_space<vmem>>) target_semaphore(%run_scoped3A : memref<!tpu.dma_semaphore, #tpu.memory_space<semaphore_mem>>)
      tpu.wait_dma2 semaphore(%run_scoped3A : memref<!tpu.dma_semaphore, #tpu.memory_space<semaphore_mem>>) src(%arg2 : memref<2048xi32, #tpu.memory_space<hbm>>) dst(%arg8 : memref<2048xi32, #tpu.memory_space<vmem>>)
      tpu.yield
    }) : () -> ()
    %add3A_3 = arith.constant 0 : i32
    %add3A_4 = arith.addi %mul3A_2, %add3A_3 : i32
    %dma_start3A = arith.constant 0 : i32
    %dma_start3A_5 = tpu.memref_slice %arg3[%add3A_4, %dma_start3A] : memref<262144x128xf32, #tpu.memory_space<hbm>> -> memref<128x128xf32, #tpu.memory_space<hbm>>
    %dma_start3A_6 = arith.constant 0 : i32
    %dma_start3A_7 = tpu.memref_slice %arg3[%add3A_4, %dma_start3A_6] : memref<262144x128xf32, #tpu.memory_space<hbm>> -> memref<128x128xf32, #tpu.memory_space<hbm>>
    tpu.enqueue_dma source(%dma_start3A_7 : memref<128x128xf32, #tpu.memory_space<hbm>>) target(%arg9 : memref<128x128xf32, #tpu.memory_space<vmem>>) target_semaphore(%arg15 : memref<!tpu.dma_semaphore, #tpu.memory_space<semaphore_mem>>)
    %dma_start3A_8 = arith.constant 0 : i32
    %dma_start3A_9 = tpu.memref_slice %arg4[%add3A_4, %dma_start3A_8] : memref<262144x128xf32, #tpu.memory_space<hbm>> -> memref<128x128xf32, #tpu.memory_space<hbm>>
    %dma_start3A_10 = arith.constant 0 : i32
    %dma_start3A_11 = tpu.memref_slice %arg4[%add3A_4, %dma_start3A_10] : memref<262144x128xf32, #tpu.memory_space<hbm>> -> memref<128x128xf32, #tpu.memory_space<hbm>>
    tpu.enqueue_dma source(%dma_start3A_11 : memref<128x128xf32, #tpu.memory_space<hbm>>) target(%arg12 : memref<128x128xf32, #tpu.memory_space<vmem>>) target_semaphore(%arg18 : memref<!tpu.dma_semaphore, #tpu.memory_space<semaphore_mem>>)
    %add3A_12 = arith.constant 128 : i32
    %add3A_13 = arith.addi %mul3A_2, %add3A_12 : i32
    %dma_start3A_14 = arith.constant 0 : i32
    %dma_start3A_15 = tpu.memref_slice %arg3[%add3A_13, %dma_start3A_14] : memref<262144x128xf32, #tpu.memory_space<hbm>> -> memref<128x128xf32, #tpu.memory_space<hbm>>
    %dma_start3A_16 = arith.constant 0 : i32
    %dma_start3A_17 = tpu.memref_slice %arg3[%add3A_13, %dma_start3A_16] : memref<262144x128xf32, #tpu.memory_space<hbm>> -> memref<128x128xf32, #tpu.memory_space<hbm>>
    tpu.enqueue_dma source(%dma_start3A_17 : memref<128x128xf32, #tpu.memory_space<hbm>>) target(%arg10 : memref<128x128xf32, #tpu.memory_space<vmem>>) target_semaphore(%arg16 : memref<!tpu.dma_semaphore, #tpu.memory_space<semaphore_mem>>)
    %dma_start3A_18 = arith.constant 0 : i32
    %dma_start3A_19 = tpu.memref_slice %arg4[%add3A_13, %dma_start3A_18] : memref<262144x128xf32, #tpu.memory_space<hbm>> -> memref<128x128xf32, #tpu.memory_space<hbm>>
    %dma_start3A_20 = arith.constant 0 : i32
    %dma_start3A_21 = tpu.memref_slice %arg4[%add3A_13, %dma_start3A_20] : memref<262144x128xf32, #tpu.memory_space<hbm>> -> memref<128x128xf32, #tpu.memory_space<hbm>>
    tpu.enqueue_dma source(%dma_start3A_21 : memref<128x128xf32, #tpu.memory_space<hbm>>) target(%arg13 : memref<128x128xf32, #tpu.memory_space<vmem>>) target_semaphore(%arg19 : memref<!tpu.dma_semaphore, #tpu.memory_space<semaphore_mem>>)
    %add3A_22 = arith.constant 256 : i32
    %add3A_23 = arith.addi %mul3A_2, %add3A_22 : i32
    %dma_start3A_24 = arith.constant 0 : i32
    %dma_start3A_25 = tpu.memref_slice %arg3[%add3A_23, %dma_start3A_24] : memref<262144x128xf32, #tpu.memory_space<hbm>> -> memref<128x128xf32, #tpu.memory_space<hbm>>
    %dma_start3A_26 = arith.constant 0 : i32
    %dma_start3A_27 = tpu.memref_slice %arg3[%add3A_23, %dma_start3A_26] : memref<262144x128xf32, #tpu.memory_space<hbm>> -> memref<128x128xf32, #tpu.memory_space<hbm>>
    tpu.enqueue_dma source(%dma_start3A_27 : memref<128x128xf32, #tpu.memory_space<hbm>>) target(%arg11 : memref<128x128xf32, #tpu.memory_space<vmem>>) target_semaphore(%arg17 : memref<!tpu.dma_semaphore, #tpu.memory_space<semaphore_mem>>)
    %dma_start3A_28 = arith.constant 0 : i32
    %dma_start3A_29 = tpu.memref_slice %arg4[%add3A_23, %dma_start3A_28] : memref<262144x128xf32, #tpu.memory_space<hbm>> -> memref<128x128xf32, #tpu.memory_space<hbm>>
    %dma_start3A_30 = arith.constant 0 : i32
    %dma_start3A_31 = tpu.memref_slice %arg4[%add3A_23, %dma_start3A_30] : memref<262144x128xf32, #tpu.memory_space<hbm>> -> memref<128x128xf32, #tpu.memory_space<hbm>>
    tpu.enqueue_dma source(%dma_start3A_31 : memref<128x128xf32, #tpu.memory_space<hbm>>) target(%arg14 : memref<128x128xf32, #tpu.memory_space<vmem>>) target_semaphore(%arg20 : memref<!tpu.dma_semaphore, #tpu.memory_space<semaphore_mem>>)
    %scan3A = arith.constant 0 : i32
    %scan3A_32 = arith.constant 0 : i32
    %scan3A_33 = arith.constant 64 : i32
    %scan3A_34 = arith.addi %scan3A_32, %scan3A_33 : i32
    %scan3A_35 = arith.constant 1 : i32
    scf.for %scan3A_212 = %scan3A_32 to %scan3A_34 step %scan3A_35  : i32 {
      %mul3A_213 = arith.constant 4 : i32
      %mul3A_214 = arith.muli %add3A, %mul3A_213 : i32
      %jit3A = arith.constant 16 : i32
      %div3A = arith.divsi %scan3A_212, %jit3A : i32
      %sign3A = arith.constant 0 : i32
      %sign3A_215 = arith.cmpi sgt, %scan3A_212, %sign3A : i32
      %sign3A_216 = arith.extui %sign3A_215 : i1 to i32
      %sign3A_217 = arith.constant 0 : i32
      %sign3A_218 = arith.cmpi slt, %scan3A_212, %sign3A_217 : i32
      %sign3A_219 = arith.extui %sign3A_218 : i1 to i32
      %sign3A_220 = arith.subi %sign3A_216, %sign3A_219 : i32
      %sign3A_221 = arith.constant 0 : i32
      %sign3A_222 = arith.cmpi sgt, %jit3A, %sign3A_221 : i32
      %sign3A_223 = arith.extui %sign3A_222 : i1 to i32
      %sign3A_224 = arith.constant 0 : i32
      %sign3A_225 = arith.cmpi slt, %jit3A, %sign3A_224 : i32
      %sign3A_226 = arith.extui %sign3A_225 : i1 to i32
      %sign3A_227 = arith.subi %sign3A_223, %sign3A_226 : i32
      %ne3A = arith.cmpi ne, %sign3A_220, %sign3A_227 : i32
      %rem3A = arith.remsi %scan3A_212, %jit3A : i32
      %ne3A_228 = arith.constant 0 : i32
      %ne3A_229 = arith.cmpi ne, %rem3A, %ne3A_228 : i32
      %and3A = arith.andi %ne3A, %ne3A_229 : i1
      %sub3A = arith.constant 1 : i32
      %sub3A_230 = arith.subi %div3A, %sub3A : i32
      %select_n3A = arith.select %and3A, %sub3A_230, %div3A : i32
      %add3A_231 = arith.addi %mul3A_214, %select_n3A : i32
      %mul3A_232 = arith.constant 2048 : i32
      %mul3A_233 = arith.muli %add3A_231, %mul3A_232 : i32
      %jit3A_234 = arith.constant 16 : i32
      %eq3A = arith.constant 0 : i32
      %eq3A_235 = arith.cmpi eq, %jit3A_234, %eq3A : i32
      %jit3A_236 = arith.constant 1 : i32
      %select_n3A_237 = arith.select %eq3A_235, %jit3A_236, %jit3A_234 : i32
      %rem3A_238 = arith.remsi %scan3A_212, %select_n3A_237 : i32
      %ne3A_239 = arith.constant 0 : i32
      %ne3A_240 = arith.cmpi ne, %rem3A_238, %ne3A_239 : i32
      %lt3A = arith.constant 0 : i32
      %lt3A_241 = arith.cmpi slt, %rem3A_238, %lt3A : i32
      %lt3A_242 = arith.constant 0 : i32
      %lt3A_243 = arith.cmpi slt, %select_n3A_237, %lt3A_242 : i32
      %ne3A_244 = arith.xori %lt3A_241, %lt3A_243 : i1
      %and3A_245 = arith.andi %ne3A_244, %ne3A_240 : i1
      %add3A_246 = arith.addi %rem3A_238, %select_n3A_237 : i32
      %select_n3A_247 = arith.select %and3A_245, %add3A_246, %rem3A_238 : i32
      %mul3A_248 = arith.constant 128 : i32
      %mul3A_249 = arith.muli %select_n3A_247, %mul3A_248 : i32
      %add3A_250 = arith.constant 0 : i32
      %add3A_251 = arith.addi %mul3A_249, %add3A_250 : i32
      %get3A = arith.index_cast %add3A_251 : i32 to index
      %get3A_252 = tpu.vector_load %arg8[%get3A] {strides = array<i32>} : memref<2048xi32, #tpu.memory_space<vmem>>, vector<16xi32>,
      %get3A_253 = vector.shape_cast %get3A_252 : vector<16xi32> to vector<16xi32>
      %add3A_254 = vector.broadcast %mul3A_233 : i32 to vector<16xi32>
      %add3A_255 = arith.addi %get3A_253, %add3A_254 : vector<16xi32>
      %swap3A = arith.index_cast %scan3A_212 : i32 to index
      %swap3A_256 = arith.constant 0 : index
      %swap3A_257 = tpu.vector_load %arg7[%swap3A, %swap3A_256] {strides = array<i32>} : memref<64x128xi32, #tpu.memory_space<vmem>>, vector<1x16xi32>,
      %swap3A_258 = vector.shape_cast %swap3A_257 : vector<1x16xi32> to vector<16xi32>
      %swap3A_259 = vector.shape_cast %add3A_255 : vector<16xi32> to vector<1x16xi32>
      tpu.vector_store %arg7[%swap3A, %swap3A_256], %swap3A_259 {strides = array<i32>} : memref<64x128xi32, #tpu.memory_space<vmem>>, vector<1x16xi32>,
      %add3A_260 = arith.constant 16 : i32
      %add3A_261 = arith.addi %mul3A_249, %add3A_260 : i32
      %get3A_262 = arith.index_cast %add3A_261 : i32 to index
      %get3A_263 = tpu.vector_load %arg8[%get3A_262] {strides = array<i32>} : memref<2048xi32, #tpu.memory_space<vmem>>, vector<16xi32>,
      %get3A_264 = vector.shape_cast %get3A_263 : vector<16xi32> to vector<16xi32>
      %add3A_265 = vector.broadcast %mul3A_233 : i32 to vector<16xi32>
      %add3A_266 = arith.addi %get3A_264, %add3A_265 : vector<16xi32>
      %swap3A_267 = arith.index_cast %scan3A_212 : i32 to index
      %swap3A_268 = arith.constant 16 : index
      %swap3A_269 = tpu.vector_load %arg7[%swap3A_267, %swap3A_268] {strides = array<i32>} : memref<64x128xi32, #tpu.memory_space<vmem>>, vector<1x16xi32>,
      %swap3A_270 = vector.shape_cast %swap3A_269 : vector<1x16xi32> to vector<16xi32>
      %swap3A_271 = vector.shape_cast %add3A_266 : vector<16xi32> to vector<1x16xi32>
      tpu.vector_store %arg7[%swap3A_267, %swap3A_268], %swap3A_271 {strides = array<i32>} : memref<64x128xi32, #tpu.memory_space<vmem>>, vector<1x16xi32>,
      %add3A_272 = arith.constant 32 : i32
      %add3A_273 = arith.addi %mul3A_249, %add3A_272 : i32
      %get3A_274 = arith.index_cast %add3A_273 : i32 to index
      %get3A_275 = tpu.vector_load %arg8[%get3A_274] {strides = array<i32>} : memref<2048xi32, #tpu.memory_space<vmem>>, vector<16xi32>,
      %get3A_276 = vector.shape_cast %get3A_275 : vector<16xi32> to vector<16xi32>
      %add3A_277 = vector.broadcast %mul3A_233 : i32 to vector<16xi32>
      %add3A_278 = arith.addi %get3A_276, %add3A_277 : vector<16xi32>
      %swap3A_279 = arith.index_cast %scan3A_212 : i32 to index
      %swap3A_280 = arith.constant 32 : index
      %swap3A_281 = tpu.vector_load %arg7[%swap3A_279, %swap3A_280] {strides = array<i32>} : memref<64x128xi32, #tpu.memory_space<vmem>>, vector<1x16xi32>,
      %swap3A_282 = vector.shape_cast %swap3A_281 : vector<1x16xi32> to vector<16xi32>
      %swap3A_283 = vector.shape_cast %add3A_278 : vector<16xi32> to vector<1x16xi32>
      tpu.vector_store %arg7[%swap3A_279, %swap3A_280], %swap3A_283 {strides = array<i32>} : memref<64x128xi32, #tpu.memory_space<vmem>>, vector<1x16xi32>,
      %add3A_284 = arith.constant 48 : i32
      %add3A_285 = arith.addi %mul3A_249, %add3A_284 : i32
      %get3A_286 = arith.index_cast %add3A_285 : i32 to index
      %get3A_287 = tpu.vector_load %arg8[%get3A_286] {strides = array<i32>} : memref<2048xi32, #tpu.memory_space<vmem>>, vector<16xi32>,
      %get3A_288 = vector.shape_cast %get3A_287 : vector<16xi32> to vector<16xi32>
      %add3A_289 = vector.broadcast %mul3A_233 : i32 to vector<16xi32>
      %add3A_290 = arith.addi %get3A_288, %add3A_289 : vector<16xi32>
      %swap3A_291 = arith.index_cast %scan3A_212 : i32 to index
      %swap3A_292 = arith.constant 48 : index
      %swap3A_293 = tpu.vector_load %arg7[%swap3A_291, %swap3A_292] {strides = array<i32>} : memref<64x128xi32, #tpu.memory_space<vmem>>, vector<1x16xi32>,
      %swap3A_294 = vector.shape_cast %swap3A_293 : vector<1x16xi32> to vector<16xi32>
      %swap3A_295 = vector.shape_cast %add3A_290 : vector<16xi32> to vector<1x16xi32>
      tpu.vector_store %arg7[%swap3A_291, %swap3A_292], %swap3A_295 {strides = array<i32>} : memref<64x128xi32, #tpu.memory_space<vmem>>, vector<1x16xi32>,
      %add3A_296 = arith.constant 64 : i32
      %add3A_297 = arith.addi %mul3A_249, %add3A_296 : i32
      %get3A_298 = arith.index_cast %add3A_297 : i32 to index
      %get3A_299 = tpu.vector_load %arg8[%get3A_298] {strides = array<i32>} : memref<2048xi32, #tpu.memory_space<vmem>>, vector<16xi32>,
      %get3A_300 = vector.shape_cast %get3A_299 : vector<16xi32> to vector<16xi32>
      %add3A_301 = vector.broadcast %mul3A_233 : i32 to vector<16xi32>
      %add3A_302 = arith.addi %get3A_300, %add3A_301 : vector<16xi32>
      %swap3A_303 = arith.index_cast %scan3A_212 : i32 to index
      %swap3A_304 = arith.constant 64 : index
      %swap3A_305 = tpu.vector_load %arg7[%swap3A_303, %swap3A_304] {strides = array<i32>} : memref<64x128xi32, #tpu.memory_space<vmem>>, vector<1x16xi32>,
      %swap3A_306 = vector.shape_cast %swap3A_305 : vector<1x16xi32> to vector<16xi32>
      %swap3A_307 = vector.shape_cast %add3A_302 : vector<16xi32> to vector<1x16xi32>
      tpu.vector_store %arg7[%swap3A_303, %swap3A_304], %swap3A_307 {strides = array<i32>} : memref<64x128xi32, #tpu.memory_space<vmem>>, vector<1x16xi32>,
      %add3A_308 = arith.constant 80 : i32
      %add3A_309 = arith.addi %mul3A_249, %add3A_308 : i32
      %get3A_310 = arith.index_cast %add3A_309 : i32 to index
      %get3A_311 = tpu.vector_load %arg8[%get3A_310] {strides = array<i32>} : memref<2048xi32, #tpu.memory_space<vmem>>, vector<16xi32>,
      %get3A_312 = vector.shape_cast %get3A_311 : vector<16xi32> to vector<16xi32>
      %add3A_313 = vector.broadcast %mul3A_233 : i32 to vector<16xi32>
      %add3A_314 = arith.addi %get3A_312, %add3A_313 : vector<16xi32>
      %swap3A_315 = arith.index_cast %scan3A_212 : i32 to index
      %swap3A_316 = arith.constant 80 : index
      %swap3A_317 = tpu.vector_load %arg7[%swap3A_315, %swap3A_316] {strides = array<i32>} : memref<64x128xi32, #tpu.memory_space<vmem>>, vector<1x16xi32>,
      %swap3A_318 = vector.shape_cast %swap3A_317 : vector<1x16xi32> to vector<16xi32>
      %swap3A_319 = vector.shape_cast %add3A_314 : vector<16xi32> to vector<1x16xi32>
      tpu.vector_store %arg7[%swap3A_315, %swap3A_316], %swap3A_319 {strides = array<i32>} : memref<64x128xi32, #tpu.memory_space<vmem>>, vector<1x16xi32>,
      %add3A_320 = arith.constant 96 : i32
      %add3A_321 = arith.addi %mul3A_249, %add3A_320 : i32
      %get3A_322 = arith.index_cast %add3A_321 : i32 to index
      %get3A_323 = tpu.vector_load %arg8[%get3A_322] {strides = array<i32>} : memref<2048xi32, #tpu.memory_space<vmem>>, vector<16xi32>,
      %get3A_324 = vector.shape_cast %get3A_323 : vector<16xi32> to vector<16xi32>
      %add3A_325 = vector.broadcast %mul3A_233 : i32 to vector<16xi32>
      %add3A_326 = arith.addi %get3A_324, %add3A_325 : vector<16xi32>
      %swap3A_327 = arith.index_cast %scan3A_212 : i32 to index
      %swap3A_328 = arith.constant 96 : index
      %swap3A_329 = tpu.vector_load %arg7[%swap3A_327, %swap3A_328] {strides = array<i32>} : memref<64x128xi32, #tpu.memory_space<vmem>>, vector<1x16xi32>,
      %swap3A_330 = vector.shape_cast %swap3A_329 : vector<1x16xi32> to vector<16xi32>
      %swap3A_331 = vector.shape_cast %add3A_326 : vector<16xi32> to vector<1x16xi32>
      tpu.vector_store %arg7[%swap3A_327, %swap3A_328], %swap3A_331 {strides = array<i32>} : memref<64x128xi32, #tpu.memory_space<vmem>>, vector<1x16xi32>,
      %add3A_332 = arith.constant 112 : i32
      %add3A_333 = arith.addi %mul3A_249, %add3A_332 : i32
      %get3A_334 = arith.index_cast %add3A_333 : i32 to index
      %get3A_335 = tpu.vector_load %arg8[%get3A_334] {strides = array<i32>} : memref<2048xi32, #tpu.memory_space<vmem>>, vector<16xi32>,
      %get3A_336 = vector.shape_cast %get3A_335 : vector<16xi32> to vector<16xi32>
      %add3A_337 = vector.broadcast %mul3A_233 : i32 to vector<16xi32>
      %add3A_338 = arith.addi %get3A_336, %add3A_337 : vector<16xi32>
      %swap3A_339 = arith.index_cast %scan3A_212 : i32 to index
      %swap3A_340 = arith.constant 112 : index
      %swap3A_341 = tpu.vector_load %arg7[%swap3A_339, %swap3A_340] {strides = array<i32>} : memref<64x128xi32, #tpu.memory_space<vmem>>, vector<1x16xi32>,
      %swap3A_342 = vector.shape_cast %swap3A_341 : vector<1x16xi32> to vector<16xi32>
      %swap3A_343 = vector.shape_cast %add3A_338 : vector<16xi32> to vector<1x16xi32>
      tpu.vector_store %arg7[%swap3A_339, %swap3A_340], %swap3A_343 {strides = array<i32>} : memref<64x128xi32, #tpu.memory_space<vmem>>, vector<1x16xi32>,
    }
    %scan3A_36 = arith.constant 64 : i32
    %dma_wait3A = arith.constant 0 : i32
    %dma_wait3A_37 = arith.constant 0 : i32
    %dma_wait3A_38 = tpu.memref_slice %arg3[%dma_wait3A, %dma_wait3A_37] : memref<262144x128xf32, #tpu.memory_space<hbm>> -> memref<128x128xf32, #tpu.memory_space<hbm>>
    %dma_wait3A_39 = arith.constant 0 : i32
    %dma_wait3A_40 = arith.constant 0 : i32
    %dma_wait3A_41 = tpu.memref_slice %arg3[%dma_wait3A_39, %dma_wait3A_40] : memref<262144x128xf32, #tpu.memory_space<hbm>> -> memref<128x128xf32, #tpu.memory_space<hbm>>
    tpu.wait_dma2 semaphore(%arg15 : memref<!tpu.dma_semaphore, #tpu.memory_space<semaphore_mem>>) src(%dma_wait3A_41 : memref<128x128xf32, #tpu.memory_space<hbm>>) dst(%arg9 : memref<128x128xf32, #tpu.memory_space<vmem>>)
    %dma_wait3A_42 = arith.constant 0 : i32
    %dma_wait3A_43 = arith.constant 0 : i32
    %dma_wait3A_44 = tpu.memref_slice %arg4[%dma_wait3A_42, %dma_wait3A_43] : memref<262144x128xf32, #tpu.memory_space<hbm>> -> memref<128x128xf32, #tpu.memory_space<hbm>>
    %dma_wait3A_45 = arith.constant 0 : i32
    %dma_wait3A_46 = arith.constant 0 : i32
    %dma_wait3A_47 = tpu.memref_slice %arg4[%dma_wait3A_45, %dma_wait3A_46] : memref<262144x128xf32, #tpu.memory_space<hbm>> -> memref<128x128xf32, #tpu.memory_space<hbm>>
    tpu.wait_dma2 semaphore(%arg18 : memref<!tpu.dma_semaphore, #tpu.memory_space<semaphore_mem>>) src(%dma_wait3A_47 : memref<128x128xf32, #tpu.memory_space<hbm>>) dst(%arg12 : memref<128x128xf32, #tpu.memory_space<vmem>>)
    %dma_start3A_48 = arith.constant 0 : i32
    %dma_start3A_49 = arith.constant 0 : i32
    %dma_start3A_50 = tpu.memref_slice %arg7[%dma_start3A_48, %dma_start3A_49] : memref<64x128xi32, #tpu.memory_space<vmem>> -> memref<1x128xi32, #tpu.memory_space<vmem>>
    %dma_start3A_51 = tpu.memref_squeeze %dma_start3A_50 : memref<1x128xi32, #tpu.memory_space<vmem>> -> memref<128xi32, #tpu.memory_space<vmem>>
    %dma_start3A_52 = arith.constant 0 : i32
    %dma_start3A_53 = arith.constant 0 : i32
    %dma_start3A_54 = tpu.memref_slice %arg5[%dma_start3A_52, %dma_start3A_53] : memref<262144x128xf32, #tpu.memory_space<hbm>> -> memref<262144x128xf32, #tpu.memory_space<hbm>>
    tpu.enqueue_indirect_dma source(%arg9 : memref<128x128xf32, #tpu.memory_space<vmem>>) target(%dma_start3A_54 : memref<262144x128xf32, #tpu.memory_space<hbm>>) offsets(%dma_start3A_51 : memref<128xi32, #tpu.memory_space<vmem>>) semaphore(%arg21 : memref<!tpu.dma_semaphore, #tpu.memory_space<semaphore_mem>>)
    %dma_start3A_55 = arith.constant 0 : i32
    %dma_start3A_56 = arith.constant 0 : i32
    %dma_start3A_57 = tpu.memref_slice %arg7[%dma_start3A_55, %dma_start3A_56] : memref<64x128xi32, #tpu.memory_space<vmem>> -> memref<1x128xi32, #tpu.memory_space<vmem>>
    %dma_start3A_58 = tpu.memref_squeeze %dma_start3A_57 : memref<1x128xi32, #tpu.memory_space<vmem>> -> memref<128xi32, #tpu.memory_space<vmem>>
    %dma_start3A_59 = arith.constant 0 : i32
    %dma_start3A_60 = arith.constant 0 : i32
    %dma_start3A_61 = tpu.memref_slice %arg6[%dma_start3A_59, %dma_start3A_60] : memref<262144x128xf32, #tpu.memory_space<hbm>> -> memref<262144x128xf32, #tpu.memory_space<hbm>>
    tpu.enqueue_indirect_dma source(%arg12 : memref<128x128xf32, #tpu.memory_space<vmem>>) target(%dma_start3A_61 : memref<262144x128xf32, #tpu.memory_space<hbm>>) offsets(%dma_start3A_58 : memref<128xi32, #tpu.memory_space<vmem>>) semaphore(%arg24 : memref<!tpu.dma_semaphore, #tpu.memory_space<semaphore_mem>>)
    %dma_wait3A_62 = arith.constant 0 : i32
    %dma_wait3A_63 = arith.constant 0 : i32
    %dma_wait3A_64 = tpu.memref_slice %arg3[%dma_wait3A_62, %dma_wait3A_63] : memref<262144x128xf32, #tpu.memory_space<hbm>> -> memref<128x128xf32, #tpu.memory_space<hbm>>
    %dma_wait3A_65 = arith.constant 0 : i32
    %dma_wait3A_66 = arith.constant 0 : i32
    %dma_wait3A_67 = tpu.memref_slice %arg3[%dma_wait3A_65, %dma_wait3A_66] : memref<262144x128xf32, #tpu.memory_space<hbm>> -> memref<128x128xf32, #tpu.memory_space<hbm>>
    tpu.wait_dma2 semaphore(%arg16 : memref<!tpu.dma_semaphore, #tpu.memory_space<semaphore_mem>>) src(%dma_wait3A_67 : memref<128x128xf32, #tpu.memory_space<hbm>>) dst(%arg10 : memref<128x128xf32, #tpu.memory_space<vmem>>)
    %dma_wait3A_68 = arith.constant 0 : i32
    %dma_wait3A_69 = arith.constant 0 : i32
    %dma_wait3A_70 = tpu.memref_slice %arg4[%dma_wait3A_68, %dma_wait3A_69] : memref<262144x128xf32, #tpu.memory_space<hbm>> -> memref<128x128xf32, #tpu.memory_space<hbm>>
    %dma_wait3A_71 = arith.constant 0 : i32
    %dma_wait3A_72 = arith.constant 0 : i32
    %dma_wait3A_73 = tpu.memref_slice %arg4[%dma_wait3A_71, %dma_wait3A_72] : memref<262144x128xf32, #tpu.memory_space<hbm>> -> memref<128x128xf32, #tpu.memory_space<hbm>>
    tpu.wait_dma2 semaphore(%arg19 : memref<!tpu.dma_semaphore, #tpu.memory_space<semaphore_mem>>) src(%dma_wait3A_73 : memref<128x128xf32, #tpu.memory_space<hbm>>) dst(%arg13 : memref<128x128xf32, #tpu.memory_space<vmem>>)
    %dma_start3A_74 = arith.constant 1 : i32
    %dma_start3A_75 = arith.constant 0 : i32
    %dma_start3A_76 = tpu.memref_slice %arg7[%dma_start3A_74, %dma_start3A_75] : memref<64x128xi32, #tpu.memory_space<vmem>> -> memref<1x128xi32, #tpu.memory_space<vmem>>
    %dma_start3A_77 = tpu.memref_squeeze %dma_start3A_76 : memref<1x128xi32, #tpu.memory_space<vmem>> -> memref<128xi32, #tpu.memory_space<vmem>>
    %dma_start3A_78 = arith.constant 0 : i32
    %dma_start3A_79 = arith.constant 0 : i32
    %dma_start3A_80 = tpu.memref_slice %arg5[%dma_start3A_78, %dma_start3A_79] : memref<262144x128xf32, #tpu.memory_space<hbm>> -> memref<262144x128xf32, #tpu.memory_space<hbm>>
    tpu.enqueue_indirect_dma source(%arg10 : memref<128x128xf32, #tpu.memory_space<vmem>>) target(%dma_start3A_80 : memref<262144x128xf32, #tpu.memory_space<hbm>>) offsets(%dma_start3A_77 : memref<128xi32, #tpu.memory_space<vmem>>) semaphore(%arg22 : memref<!tpu.dma_semaphore, #tpu.memory_space<semaphore_mem>>)
    %dma_start3A_81 = arith.constant 1 : i32
    %dma_start3A_82 = arith.constant 0 : i32
    %dma_start3A_83 = tpu.memref_slice %arg7[%dma_start3A_81, %dma_start3A_82] : memref<64x128xi32, #tpu.memory_space<vmem>> -> memref<1x128xi32, #tpu.memory_space<vmem>>
    %dma_start3A_84 = tpu.memref_squeeze %dma_start3A_83 : memref<1x128xi32, #tpu.memory_space<vmem>> -> memref<128xi32, #tpu.memory_space<vmem>>
    %dma_start3A_85 = arith.constant 0 : i32
    %dma_start3A_86 = arith.constant 0 : i32
    %dma_start3A_87 = tpu.memref_slice %arg6[%dma_start3A_85, %dma_start3A_86] : memref<262144x128xf32, #tpu.memory_space<hbm>> -> memref<262144x128xf32, #tpu.memory_space<hbm>>
    tpu.enqueue_indirect_dma source(%arg13 : memref<128x128xf32, #tpu.memory_space<vmem>>) target(%dma_start3A_87 : memref<262144x128xf32, #tpu.memory_space<hbm>>) offsets(%dma_start3A_84 : memref<128xi32, #tpu.memory_space<vmem>>) semaphore(%arg25 : memref<!tpu.dma_semaphore, #tpu.memory_space<semaphore_mem>>)
    %scan3A_88 = arith.constant 0 : i32
    %scan3A_89 = arith.constant 0 : i32
    %scan3A_90 = arith.constant 20 : i32
    %scan3A_91 = arith.addi %scan3A_89, %scan3A_90 : i32
    %scan3A_92 = arith.constant 1 : i32
    scf.for %scan3A_212 = %scan3A_89 to %scan3A_91 step %scan3A_92  : i32 {
      %mul3A_213 = arith.constant 3 : i32
      %mul3A_214 = arith.muli %mul3A_213, %scan3A_212 : i32
      %add3A_215 = arith.constant 2 : i32
      %add3A_216 = arith.addi %mul3A_214, %add3A_215 : i32
      %add3A_217 = arith.constant 0 : i32
      %add3A_218 = arith.addi %add3A_216, %add3A_217 : i32
      %sub3A = arith.constant 2 : i32
      %sub3A_219 = arith.subi %add3A_218, %sub3A : i32
      %dma_wait3A_220 = arith.constant 0 : i32
      %dma_wait3A_221 = tpu.memref_slice %arg7[%sub3A_219, %dma_wait3A_220] : memref<64x128xi32, #tpu.memory_space<vmem>> -> memref<1x128xi32, #tpu.memory_space<vmem>>
      %dma_wait3A_222 = tpu.memref_squeeze %dma_wait3A_221 : memref<1x128xi32, #tpu.memory_space<vmem>> -> memref<128xi32, #tpu.memory_space<vmem>>
      %dma_wait3A_223 = arith.constant 0 : i32
      %dma_wait3A_224 = arith.constant 0 : i32
      %dma_wait3A_225 = tpu.memref_slice %arg5[%dma_wait3A_223, %dma_wait3A_224] : memref<262144x128xf32, #tpu.memory_space<hbm>> -> memref<262144x128xf32, #tpu.memory_space<hbm>>
      tpu.wait_indirect_dma semaphore(%arg21 : memref<!tpu.dma_semaphore, #tpu.memory_space<semaphore_mem>>) src(%arg9 : memref<128x128xf32, #tpu.memory_space<vmem>>) dst(%dma_wait3A_225 : memref<262144x128xf32, #tpu.memory_space<hbm>>)
      %dma_wait3A_226 = arith.constant 0 : i32
      %dma_wait3A_227 = tpu.memref_slice %arg7[%sub3A_219, %dma_wait3A_226] : memref<64x128xi32, #tpu.memory_space<vmem>> -> memref<1x128xi32, #tpu.memory_space<vmem>>
      %dma_wait3A_228 = tpu.memref_squeeze %dma_wait3A_227 : memref<1x128xi32, #tpu.memory_space<vmem>> -> memref<128xi32, #tpu.memory_space<vmem>>
      %dma_wait3A_229 = arith.constant 0 : i32
      %dma_wait3A_230 = arith.constant 0 : i32
      %dma_wait3A_231 = tpu.memref_slice %arg6[%dma_wait3A_229, %dma_wait3A_230] : memref<262144x128xf32, #tpu.memory_space<hbm>> -> memref<262144x128xf32, #tpu.memory_space<hbm>>
      tpu.wait_indirect_dma semaphore(%arg24 : memref<!tpu.dma_semaphore, #tpu.memory_space<semaphore_mem>>) src(%arg12 : memref<128x128xf32, #tpu.memory_space<vmem>>) dst(%dma_wait3A_231 : memref<262144x128xf32, #tpu.memory_space<hbm>>)
      %add3A_232 = arith.constant 1 : i32
      %add3A_233 = arith.addi %add3A_218, %add3A_232 : i32
      %mul3A_234 = arith.constant 128 : i32
      %mul3A_235 = arith.muli %add3A_233, %mul3A_234 : i32
      %add3A_236 = arith.addi %mul3A_2, %mul3A_235 : i32
      %dma_start3A_237 = arith.constant 0 : i32
      %dma_start3A_238 = tpu.memref_slice %arg3[%add3A_236, %dma_start3A_237] : memref<262144x128xf32, #tpu.memory_space<hbm>> -> memref<128x128xf32, #tpu.memory_space<hbm>>
      %dma_start3A_239 = arith.constant 0 : i32
      %dma_start3A_240 = tpu.memref_slice %arg3[%add3A_236, %dma_start3A_239] : memref<262144x128xf32, #tpu.memory_space<hbm>> -> memref<128x128xf32, #tpu.memory_space<hbm>>
      tpu.enqueue_dma source(%dma_start3A_240 : memref<128x128xf32, #tpu.memory_space<hbm>>) target(%arg9 : memref<128x128xf32, #tpu.memory_space<vmem>>) target_semaphore(%arg15 : memref<!tpu.dma_semaphore, #tpu.memory_space<semaphore_mem>>)
      %dma_start3A_241 = arith.constant 0 : i32
      %dma_start3A_242 = tpu.memref_slice %arg4[%add3A_236, %dma_start3A_241] : memref<262144x128xf32, #tpu.memory_space<hbm>> -> memref<128x128xf32, #tpu.memory_space<hbm>>
      %dma_start3A_243 = arith.constant 0 : i32
      %dma_start3A_244 = tpu.memref_slice %arg4[%add3A_236, %dma_start3A_243] : memref<262144x128xf32, #tpu.memory_space<hbm>> -> memref<128x128xf32, #tpu.memory_space<hbm>>
      tpu.enqueue_dma source(%dma_start3A_244 : memref<128x128xf32, #tpu.memory_space<hbm>>) target(%arg12 : memref<128x128xf32, #tpu.memory_space<vmem>>) target_semaphore(%arg18 : memref<!tpu.dma_semaphore, #tpu.memory_space<semaphore_mem>>)
      %dma_wait3A_245 = arith.constant 0 : i32
      %dma_wait3A_246 = arith.constant 0 : i32
      %dma_wait3A_247 = tpu.memref_slice %arg3[%dma_wait3A_245, %dma_wait3A_246] : memref<262144x128xf32, #tpu.memory_space<hbm>> -> memref<128x128xf32, #tpu.memory_space<hbm>>
      %dma_wait3A_248 = arith.constant 0 : i32
      %dma_wait3A_249 = arith.constant 0 : i32
      %dma_wait3A_250 = tpu.memref_slice %arg3[%dma_wait3A_248, %dma_wait3A_249] : memref<262144x128xf32, #tpu.memory_space<hbm>> -> memref<128x128xf32, #tpu.memory_space<hbm>>
      tpu.wait_dma2 semaphore(%arg17 : memref<!tpu.dma_semaphore, #tpu.memory_space<semaphore_mem>>) src(%dma_wait3A_250 : memref<128x128xf32, #tpu.memory_space<hbm>>) dst(%arg11 : memref<128x128xf32, #tpu.memory_space<vmem>>)
      %dma_wait3A_251 = arith.constant 0 : i32
      %dma_wait3A_252 = arith.constant 0 : i32
      %dma_wait3A_253 = tpu.memref_slice %arg4[%dma_wait3A_251, %dma_wait3A_252] : memref<262144x128xf32, #tpu.memory_space<hbm>> -> memref<128x128xf32, #tpu.memory_space<hbm>>
      %dma_wait3A_254 = arith.constant 0 : i32
      %dma_wait3A_255 = arith.constant 0 : i32
      %dma_wait3A_256 = tpu.memref_slice %arg4[%dma_wait3A_254, %dma_wait3A_255] : memref<262144x128xf32, #tpu.memory_space<hbm>> -> memref<128x128xf32, #tpu.memory_space<hbm>>
      tpu.wait_dma2 semaphore(%arg20 : memref<!tpu.dma_semaphore, #tpu.memory_space<semaphore_mem>>) src(%dma_wait3A_256 : memref<128x128xf32, #tpu.memory_space<hbm>>) dst(%arg14 : memref<128x128xf32, #tpu.memory_space<vmem>>)
      %dma_start3A_257 = arith.constant 0 : i32
      %dma_start3A_258 = tpu.memref_slice %arg7[%add3A_218, %dma_start3A_257] : memref<64x128xi32, #tpu.memory_space<vmem>> -> memref<1x128xi32, #tpu.memory_space<vmem>>
      %dma_start3A_259 = tpu.memref_squeeze %dma_start3A_258 : memref<1x128xi32, #tpu.memory_space<vmem>> -> memref<128xi32, #tpu.memory_space<vmem>>
      %dma_start3A_260 = arith.constant 0 : i32
      %dma_start3A_261 = arith.constant 0 : i32
      %dma_start3A_262 = tpu.memref_slice %arg5[%dma_start3A_260, %dma_start3A_261] : memref<262144x128xf32, #tpu.memory_space<hbm>> -> memref<262144x128xf32, #tpu.memory_space<hbm>>
      tpu.enqueue_indirect_dma source(%arg11 : memref<128x128xf32, #tpu.memory_space<vmem>>) target(%dma_start3A_262 : memref<262144x128xf32, #tpu.memory_space<hbm>>) offsets(%dma_start3A_259 : memref<128xi32, #tpu.memory_space<vmem>>) semaphore(%arg23 : memref<!tpu.dma_semaphore, #tpu.memory_space<semaphore_mem>>)
      %dma_start3A_263 = arith.constant 0 : i32
      %dma_start3A_264 = tpu.memref_slice %arg7[%add3A_218, %dma_start3A_263] : memref<64x128xi32, #tpu.memory_space<vmem>> -> memref<1x128xi32, #tpu.memory_space<vmem>>
      %dma_start3A_265 = tpu.memref_squeeze %dma_start3A_264 : memref<1x128xi32, #tpu.memory_space<vmem>> -> memref<128xi32, #tpu.memory_space<vmem>>
      %dma_start3A_266 = arith.constant 0 : i32
      %dma_start3A_267 = arith.constant 0 : i32
      %dma_start3A_268 = tpu.memref_slice %arg6[%dma_start3A_266, %dma_start3A_267] : memref<262144x128xf32, #tpu.memory_space<hbm>> -> memref<262144x128xf32, #tpu.memory_space<hbm>>
      tpu.enqueue_indirect_dma source(%arg14 : memref<128x128xf32, #tpu.memory_space<vmem>>) target(%dma_start3A_268 : memref<262144x128xf32, #tpu.memory_space<hbm>>) offsets(%dma_start3A_265 : memref<128xi32, #tpu.memory_space<vmem>>) semaphore(%arg26 : memref<!tpu.dma_semaphore, #tpu.memory_space<semaphore_mem>>)
      %mul3A_269 = arith.constant 3 : i32
      %mul3A_270 = arith.muli %mul3A_269, %scan3A_212 : i32
      %add3A_271 = arith.constant 2 : i32
      %add3A_272 = arith.addi %mul3A_270, %add3A_271 : i32
      %add3A_273 = arith.constant 1 : i32
      %add3A_274 = arith.addi %add3A_272, %add3A_273 : i32
      %sub3A_275 = arith.constant 2 : i32
      %sub3A_276 = arith.subi %add3A_274, %sub3A_275 : i32
      %dma_wait3A_277 = arith.constant 0 : i32
      %dma_wait3A_278 = tpu.memref_slice %arg7[%sub3A_276, %dma_wait3A_277] : memref<64x128xi32, #tpu.memory_space<vmem>> -> memref<1x128xi32, #tpu.memory_space<vmem>>
      %dma_wait3A_279 = tpu.memref_squeeze %dma_wait3A_278 : memref<1x128xi32, #tpu.memory_space<vmem>> -> memref<128xi32, #tpu.memory_space<vmem>>
      %dma_wait3A_280 = arith.constant 0 : i32
      %dma_wait3A_281 = arith.constant 0 : i32
      %dma_wait3A_282 = tpu.memref_slice %arg5[%dma_wait3A_280, %dma_wait3A_281] : memref<262144x128xf32, #tpu.memory_space<hbm>> -> memref<262144x128xf32, #tpu.memory_space<hbm>>
      tpu.wait_indirect_dma semaphore(%arg22 : memref<!tpu.dma_semaphore, #tpu.memory_space<semaphore_mem>>) src(%arg10 : memref<128x128xf32, #tpu.memory_space<vmem>>) dst(%dma_wait3A_282 : memref<262144x128xf32, #tpu.memory_space<hbm>>)
      %dma_wait3A_283 = arith.constant 0 : i32
      %dma_wait3A_284 = tpu.memref_slice %arg7[%sub3A_276, %dma_wait3A_283] : memref<64x128xi32, #tpu.memory_space<vmem>> -> memref<1x128xi32, #tpu.memory_space<vmem>>
      %dma_wait3A_285 = tpu.memref_squeeze %dma_wait3A_284 : memref<1x128xi32, #tpu.memory_space<vmem>> -> memref<128xi32, #tpu.memory_space<vmem>>
      %dma_wait3A_286 = arith.constant 0 : i32
      %dma_wait3A_287 = arith.constant 0 : i32
      %dma_wait3A_288 = tpu.memref_slice %arg6[%dma_wait3A_286, %dma_wait3A_287] : memref<262144x128xf32, #tpu.memory_space<hbm>> -> memref<262144x128xf32, #tpu.memory_space<hbm>>
      tpu.wait_indirect_dma semaphore(%arg25 : memref<!tpu.dma_semaphore, #tpu.memory_space<semaphore_mem>>) src(%arg13 : memref<128x128xf32, #tpu.memory_space<vmem>>) dst(%dma_wait3A_288 : memref<262144x128xf32, #tpu.memory_space<hbm>>)
      %add3A_289 = arith.constant 1 : i32
      %add3A_290 = arith.addi %add3A_274, %add3A_289 : i32
      %mul3A_291 = arith.constant 128 : i32
      %mul3A_292 = arith.muli %add3A_290, %mul3A_291 : i32
      %add3A_293 = arith.addi %mul3A_2, %mul3A_292 : i32
      %dma_start3A_294 = arith.constant 0 : i32
      %dma_start3A_295 = tpu.memref_slice %arg3[%add3A_293, %dma_start3A_294] : memref<262144x128xf32, #tpu.memory_space<hbm>> -> memref<128x128xf32, #tpu.memory_space<hbm>>
      %dma_start3A_296 = arith.constant 0 : i32
      %dma_start3A_297 = tpu.memref_slice %arg3[%add3A_293, %dma_start3A_296] : memref<262144x128xf32, #tpu.memory_space<hbm>> -> memref<128x128xf32, #tpu.memory_space<hbm>>
      tpu.enqueue_dma source(%dma_start3A_297 : memref<128x128xf32, #tpu.memory_space<hbm>>) target(%arg10 : memref<128x128xf32, #tpu.memory_space<vmem>>) target_semaphore(%arg16 : memref<!tpu.dma_semaphore, #tpu.memory_space<semaphore_mem>>)
      %dma_start3A_298 = arith.constant 0 : i32
      %dma_start3A_299 = tpu.memref_slice %arg4[%add3A_293, %dma_start3A_298] : memref<262144x128xf32, #tpu.memory_space<hbm>> -> memref<128x128xf32, #tpu.memory_space<hbm>>
      %dma_start3A_300 = arith.constant 0 : i32
      %dma_start3A_301 = tpu.memref_slice %arg4[%add3A_293, %dma_start3A_300] : memref<262144x128xf32, #tpu.memory_space<hbm>> -> memref<128x128xf32, #tpu.memory_space<hbm>>
      tpu.enqueue_dma source(%dma_start3A_301 : memref<128x128xf32, #tpu.memory_space<hbm>>) target(%arg13 : memref<128x128xf32, #tpu.memory_space<vmem>>) target_semaphore(%arg19 : memref<!tpu.dma_semaphore, #tpu.memory_space<semaphore_mem>>)
      %dma_wait3A_302 = arith.constant 0 : i32
      %dma_wait3A_303 = arith.constant 0 : i32
      %dma_wait3A_304 = tpu.memref_slice %arg3[%dma_wait3A_302, %dma_wait3A_303] : memref<262144x128xf32, #tpu.memory_space<hbm>> -> memref<128x128xf32, #tpu.memory_space<hbm>>
      %dma_wait3A_305 = arith.constant 0 : i32
      %dma_wait3A_306 = arith.constant 0 : i32
      %dma_wait3A_307 = tpu.memref_slice %arg3[%dma_wait3A_305, %dma_wait3A_306] : memref<262144x128xf32, #tpu.memory_space<hbm>> -> memref<128x128xf32, #tpu.memory_space<hbm>>
      tpu.wait_dma2 semaphore(%arg15 : memref<!tpu.dma_semaphore, #tpu.memory_space<semaphore_mem>>) src(%dma_wait3A_307 : memref<128x128xf32, #tpu.memory_space<hbm>>) dst(%arg9 : memref<128x128xf32, #tpu.memory_space<vmem>>)
      %dma_wait3A_308 = arith.constant 0 : i32
      %dma_wait3A_309 = arith.constant 0 : i32
      %dma_wait3A_310 = tpu.memref_slice %arg4[%dma_wait3A_308, %dma_wait3A_309] : memref<262144x128xf32, #tpu.memory_space<hbm>> -> memref<128x128xf32, #tpu.memory_space<hbm>>
      %dma_wait3A_311 = arith.constant 0 : i32
      %dma_wait3A_312 = arith.constant 0 : i32
      %dma_wait3A_313 = tpu.memref_slice %arg4[%dma_wait3A_311, %dma_wait3A_312] : memref<262144x128xf32, #tpu.memory_space<hbm>> -> memref<128x128xf32, #tpu.memory_space<hbm>>
      tpu.wait_dma2 semaphore(%arg18 : memref<!tpu.dma_semaphore, #tpu.memory_space<semaphore_mem>>) src(%dma_wait3A_313 : memref<128x128xf32, #tpu.memory_space<hbm>>) dst(%arg12 : memref<128x128xf32, #tpu.memory_space<vmem>>)
      %dma_start3A_314 = arith.constant 0 : i32
      %dma_start3A_315 = tpu.memref_slice %arg7[%add3A_274, %dma_start3A_314] : memref<64x128xi32, #tpu.memory_space<vmem>> -> memref<1x128xi32, #tpu.memory_space<vmem>>
      %dma_start3A_316 = tpu.memref_squeeze %dma_start3A_315 : memref<1x128xi32, #tpu.memory_space<vmem>> -> memref<128xi32, #tpu.memory_space<vmem>>
      %dma_start3A_317 = arith.constant 0 : i32
      %dma_start3A_318 = arith.constant 0 : i32
      %dma_start3A_319 = tpu.memref_slice %arg5[%dma_start3A_317, %dma_start3A_318] : memref<262144x128xf32, #tpu.memory_space<hbm>> -> memref<262144x128xf32, #tpu.memory_space<hbm>>
      tpu.enqueue_indirect_dma source(%arg9 : memref<128x128xf32, #tpu.memory_space<vmem>>) target(%dma_start3A_319 : memref<262144x128xf32, #tpu.memory_space<hbm>>) offsets(%dma_start3A_316 : memref<128xi32, #tpu.memory_space<vmem>>) semaphore(%arg21 : memref<!tpu.dma_semaphore, #tpu.memory_space<semaphore_mem>>)
      %dma_start3A_320 = arith.constant 0 : i32
      %dma_start3A_321 = tpu.memref_slice %arg7[%add3A_274, %dma_start3A_320] : memref<64x128xi32, #tpu.memory_space<vmem>> -> memref<1x128xi32, #tpu.memory_space<vmem>>
      %dma_start3A_322 = tpu.memref_squeeze %dma_start3A_321 : memref<1x128xi32, #tpu.memory_space<vmem>> -> memref<128xi32, #tpu.memory_space<vmem>>
      %dma_start3A_323 = arith.constant 0 : i32
      %dma_start3A_324 = arith.constant 0 : i32
      %dma_start3A_325 = tpu.memref_slice %arg6[%dma_start3A_323, %dma_start3A_324] : memref<262144x128xf32, #tpu.memory_space<hbm>> -> memref<262144x128xf32, #tpu.memory_space<hbm>>
      tpu.enqueue_indirect_dma source(%arg12 : memref<128x128xf32, #tpu.memory_space<vmem>>) target(%dma_start3A_325 : memref<262144x128xf32, #tpu.memory_space<hbm>>) offsets(%dma_start3A_322 : memref<128xi32, #tpu.memory_space<vmem>>) semaphore(%arg24 : memref<!tpu.dma_semaphore, #tpu.memory_space<semaphore_mem>>)
      %mul3A_326 = arith.constant 3 : i32
      %mul3A_327 = arith.muli %mul3A_326, %scan3A_212 : i32
      %add3A_328 = arith.constant 2 : i32
      %add3A_329 = arith.addi %mul3A_327, %add3A_328 : i32
      %add3A_330 = arith.constant 2 : i32
      %add3A_331 = arith.addi %add3A_329, %add3A_330 : i32
      %sub3A_332 = arith.constant 2 : i32
      %sub3A_333 = arith.subi %add3A_331, %sub3A_332 : i32
      %dma_wait3A_334 = arith.constant 0 : i32
      %dma_wait3A_335 = tpu.memref_slice %arg7[%sub3A_333, %dma_wait3A_334] : memref<64x128xi32, #tpu.memory_space<vmem>> -> memref<1x128xi32, #tpu.memory_space<vmem>>
      %dma_wait3A_336 = tpu.memref_squeeze %dma_wait3A_335 : memref<1x128xi32, #tpu.memory_space<vmem>> -> memref<128xi32, #tpu.memory_space<vmem>>
      %dma_wait3A_337 = arith.constant 0 : i32
      %dma_wait3A_338 = arith.constant 0 : i32
      %dma_wait3A_339 = tpu.memref_slice %arg5[%dma_wait3A_337, %dma_wait3A_338] : memref<262144x128xf32, #tpu.memory_space<hbm>> -> memref<262144x128xf32, #tpu.memory_space<hbm>>
      tpu.wait_indirect_dma semaphore(%arg23 : memref<!tpu.dma_semaphore, #tpu.memory_space<semaphore_mem>>) src(%arg11 : memref<128x128xf32, #tpu.memory_space<vmem>>) dst(%dma_wait3A_339 : memref<262144x128xf32, #tpu.memory_space<hbm>>)
      %dma_wait3A_340 = arith.constant 0 : i32
      %dma_wait3A_341 = tpu.memref_slice %arg7[%sub3A_333, %dma_wait3A_340] : memref<64x128xi32, #tpu.memory_space<vmem>> -> memref<1x128xi32, #tpu.memory_space<vmem>>
      %dma_wait3A_342 = tpu.memref_squeeze %dma_wait3A_341 : memref<1x128xi32, #tpu.memory_space<vmem>> -> memref<128xi32, #tpu.memory_space<vmem>>
      %dma_wait3A_343 = arith.constant 0 : i32
      %dma_wait3A_344 = arith.constant 0 : i32
      %dma_wait3A_345 = tpu.memref_slice %arg6[%dma_wait3A_343, %dma_wait3A_344] : memref<262144x128xf32, #tpu.memory_space<hbm>> -> memref<262144x128xf32, #tpu.memory_space<hbm>>
      tpu.wait_indirect_dma semaphore(%arg26 : memref<!tpu.dma_semaphore, #tpu.memory_space<semaphore_mem>>) src(%arg14 : memref<128x128xf32, #tpu.memory_space<vmem>>) dst(%dma_wait3A_345 : memref<262144x128xf32, #tpu.memory_space<hbm>>)
      %add3A_346 = arith.constant 1 : i32
      %add3A_347 = arith.addi %add3A_331, %add3A_346 : i32
      %mul3A_348 = arith.constant 128 : i32
      %mul3A_349 = arith.muli %add3A_347, %mul3A_348 : i32
      %add3A_350 = arith.addi %mul3A_2, %mul3A_349 : i32
      %dma_start3A_351 = arith.constant 0 : i32
      %dma_start3A_352 = tpu.memref_slice %arg3[%add3A_350, %dma_start3A_351] : memref<262144x128xf32, #tpu.memory_space<hbm>> -> memref<128x128xf32, #tpu.memory_space<hbm>>
      %dma_start3A_353 = arith.constant 0 : i32
      %dma_start3A_354 = tpu.memref_slice %arg3[%add3A_350, %dma_start3A_353] : memref<262144x128xf32, #tpu.memory_space<hbm>> -> memref<128x128xf32, #tpu.memory_space<hbm>>
      tpu.enqueue_dma source(%dma_start3A_354 : memref<128x128xf32, #tpu.memory_space<hbm>>) target(%arg11 : memref<128x128xf32, #tpu.memory_space<vmem>>) target_semaphore(%arg17 : memref<!tpu.dma_semaphore, #tpu.memory_space<semaphore_mem>>)
      %dma_start3A_355 = arith.constant 0 : i32
      %dma_start3A_356 = tpu.memref_slice %arg4[%add3A_350, %dma_start3A_355] : memref<262144x128xf32, #tpu.memory_space<hbm>> -> memref<128x128xf32, #tpu.memory_space<hbm>>
      %dma_start3A_357 = arith.constant 0 : i32
      %dma_start3A_358 = tpu.memref_slice %arg4[%add3A_350, %dma_start3A_357] : memref<262144x128xf32, #tpu.memory_space<hbm>> -> memref<128x128xf32, #tpu.memory_space<hbm>>
      tpu.enqueue_dma source(%dma_start3A_358 : memref<128x128xf32, #tpu.memory_space<hbm>>) target(%arg14 : memref<128x128xf32, #tpu.memory_space<vmem>>) target_semaphore(%arg20 : memref<!tpu.dma_semaphore, #tpu.memory_space<semaphore_mem>>)
      %dma_wait3A_359 = arith.constant 0 : i32
      %dma_wait3A_360 = arith.constant 0 : i32
      %dma_wait3A_361 = tpu.memref_slice %arg3[%dma_wait3A_359, %dma_wait3A_360] : memref<262144x128xf32, #tpu.memory_space<hbm>> -> memref<128x128xf32, #tpu.memory_space<hbm>>
      %dma_wait3A_362 = arith.constant 0 : i32
      %dma_wait3A_363 = arith.constant 0 : i32
      %dma_wait3A_364 = tpu.memref_slice %arg3[%dma_wait3A_362, %dma_wait3A_363] : memref<262144x128xf32, #tpu.memory_space<hbm>> -> memref<128x128xf32, #tpu.memory_space<hbm>>
      tpu.wait_dma2 semaphore(%arg16 : memref<!tpu.dma_semaphore, #tpu.memory_space<semaphore_mem>>) src(%dma_wait3A_364 : memref<128x128xf32, #tpu.memory_space<hbm>>) dst(%arg10 : memref<128x128xf32, #tpu.memory_space<vmem>>)
      %dma_wait3A_365 = arith.constant 0 : i32
      %dma_wait3A_366 = arith.constant 0 : i32
      %dma_wait3A_367 = tpu.memref_slice %arg4[%dma_wait3A_365, %dma_wait3A_366] : memref<262144x128xf32, #tpu.memory_space<hbm>> -> memref<128x128xf32, #tpu.memory_space<hbm>>
      %dma_wait3A_368 = arith.constant 0 : i32
      %dma_wait3A_369 = arith.constant 0 : i32
      %dma_wait3A_370 = tpu.memref_slice %arg4[%dma_wait3A_368, %dma_wait3A_369] : memref<262144x128xf32, #tpu.memory_space<hbm>> -> memref<128x128xf32, #tpu.memory_space<hbm>>
      tpu.wait_dma2 semaphore(%arg19 : memref<!tpu.dma_semaphore, #tpu.memory_space<semaphore_mem>>) src(%dma_wait3A_370 : memref<128x128xf32, #tpu.memory_space<hbm>>) dst(%arg13 : memref<128x128xf32, #tpu.memory_space<vmem>>)
      %dma_start3A_371 = arith.constant 0 : i32
      %dma_start3A_372 = tpu.memref_slice %arg7[%add3A_331, %dma_start3A_371] : memref<64x128xi32, #tpu.memory_space<vmem>> -> memref<1x128xi32, #tpu.memory_space<vmem>>
      %dma_start3A_373 = tpu.memref_squeeze %dma_start3A_372 : memref<1x128xi32, #tpu.memory_space<vmem>> -> memref<128xi32, #tpu.memory_space<vmem>>
      %dma_start3A_374 = arith.constant 0 : i32
      %dma_start3A_375 = arith.constant 0 : i32
      %dma_start3A_376 = tpu.memref_slice %arg5[%dma_start3A_374, %dma_start3A_375] : memref<262144x128xf32, #tpu.memory_space<hbm>> -> memref<262144x128xf32, #tpu.memory_space<hbm>>
      tpu.enqueue_indirect_dma source(%arg10 : memref<128x128xf32, #tpu.memory_space<vmem>>) target(%dma_start3A_376 : memref<262144x128xf32, #tpu.memory_space<hbm>>) offsets(%dma_start3A_373 : memref<128xi32, #tpu.memory_space<vmem>>) semaphore(%arg22 : memref<!tpu.dma_semaphore, #tpu.memory_space<semaphore_mem>>)
      %dma_start3A_377 = arith.constant 0 : i32
      %dma_start3A_378 = tpu.memref_slice %arg7[%add3A_331, %dma_start3A_377] : memref<64x128xi32, #tpu.memory_space<vmem>> -> memref<1x128xi32, #tpu.memory_space<vmem>>
      %dma_start3A_379 = tpu.memref_squeeze %dma_start3A_378 : memref<1x128xi32, #tpu.memory_space<vmem>> -> memref<128xi32, #tpu.memory_space<vmem>>
      %dma_start3A_380 = arith.constant 0 : i32
      %dma_start3A_381 = arith.constant 0 : i32
      %dma_start3A_382 = tpu.memref_slice %arg6[%dma_start3A_380, %dma_start3A_381] : memref<262144x128xf32, #tpu.memory_space<hbm>> -> memref<262144x128xf32, #tpu.memory_space<hbm>>
      tpu.enqueue_indirect_dma source(%arg13 : memref<128x128xf32, #tpu.memory_space<vmem>>) target(%dma_start3A_382 : memref<262144x128xf32, #tpu.memory_space<hbm>>) offsets(%dma_start3A_379 : memref<128xi32, #tpu.memory_space<vmem>>) semaphore(%arg25 : memref<!tpu.dma_semaphore, #tpu.memory_space<semaphore_mem>>)
    }
    %scan3A_93 = arith.constant 20 : i32
    %dma_wait3A_94 = arith.constant 60 : i32
    %dma_wait3A_95 = arith.constant 0 : i32
    %dma_wait3A_96 = tpu.memref_slice %arg7[%dma_wait3A_94, %dma_wait3A_95] : memref<64x128xi32, #tpu.memory_space<vmem>> -> memref<1x128xi32, #tpu.memory_space<vmem>>
    %dma_wait3A_97 = tpu.memref_squeeze %dma_wait3A_96 : memref<1x128xi32, #tpu.memory_space<vmem>> -> memref<128xi32, #tpu.memory_space<vmem>>
    %dma_wait3A_98 = arith.constant 0 : i32
    %dma_wait3A_99 = arith.constant 0 : i32
    %dma_wait3A_100 = tpu.memref_slice %arg5[%dma_wait3A_98, %dma_wait3A_99] : memref<262144x128xf32, #tpu.memory_space<hbm>> -> memref<262144x128xf32, #tpu.memory_space<hbm>>
    tpu.wait_indirect_dma semaphore(%arg21 : memref<!tpu.dma_semaphore, #tpu.memory_space<semaphore_mem>>) src(%arg9 : memref<128x128xf32, #tpu.memory_space<vmem>>) dst(%dma_wait3A_100 : memref<262144x128xf32, #tpu.memory_space<hbm>>)
    %dma_wait3A_101 = arith.constant 60 : i32
    %dma_wait3A_102 = arith.constant 0 : i32
    %dma_wait3A_103 = tpu.memref_slice %arg7[%dma_wait3A_101, %dma_wait3A_102] : memref<64x128xi32, #tpu.memory_space<vmem>> -> memref<1x128xi32, #tpu.memory_space<vmem>>
    %dma_wait3A_104 = tpu.memref_squeeze %dma_wait3A_103 : memref<1x128xi32, #tpu.memory_space<vmem>> -> memref<128xi32, #tpu.memory_space<vmem>>
    %dma_wait3A_105 = arith.constant 0 : i32
    %dma_wait3A_106 = arith.constant 0 : i32
    %dma_wait3A_107 = tpu.memref_slice %arg6[%dma_wait3A_105, %dma_wait3A_106] : memref<262144x128xf32, #tpu.memory_space<hbm>> -> memref<262144x128xf32, #tpu.memory_space<hbm>>
    tpu.wait_indirect_dma semaphore(%arg24 : memref<!tpu.dma_semaphore, #tpu.memory_space<semaphore_mem>>) src(%arg12 : memref<128x128xf32, #tpu.memory_space<vmem>>) dst(%dma_wait3A_107 : memref<262144x128xf32, #tpu.memory_space<hbm>>)
    %add3A_108 = arith.constant 8064 : i32
    %add3A_109 = arith.addi %mul3A_2, %add3A_108 : i32
    %dma_start3A_110 = arith.constant 0 : i32
    %dma_start3A_111 = tpu.memref_slice %arg3[%add3A_109, %dma_start3A_110] : memref<262144x128xf32, #tpu.memory_space<hbm>> -> memref<128x128xf32, #tpu.memory_space<hbm>>
    %dma_start3A_112 = arith.constant 0 : i32
    %dma_start3A_113 = tpu.memref_slice %arg3[%add3A_109, %dma_start3A_112] : memref<262144x128xf32, #tpu.memory_space<hbm>> -> memref<128x128xf32, #tpu.memory_space<hbm>>
    tpu.enqueue_dma source(%dma_start3A_113 : memref<128x128xf32, #tpu.memory_space<hbm>>) target(%arg9 : memref<128x128xf32, #tpu.memory_space<vmem>>) target_semaphore(%arg15 : memref<!tpu.dma_semaphore, #tpu.memory_space<semaphore_mem>>)
    %dma_start3A_114 = arith.constant 0 : i32
    %dma_start3A_115 = tpu.memref_slice %arg4[%add3A_109, %dma_start3A_114] : memref<262144x128xf32, #tpu.memory_space<hbm>> -> memref<128x128xf32, #tpu.memory_space<hbm>>
    %dma_start3A_116 = arith.constant 0 : i32
    %dma_start3A_117 = tpu.memref_slice %arg4[%add3A_109, %dma_start3A_116] : memref<262144x128xf32, #tpu.memory_space<hbm>> -> memref<128x128xf32, #tpu.memory_space<hbm>>
    tpu.enqueue_dma source(%dma_start3A_117 : memref<128x128xf32, #tpu.memory_space<hbm>>) target(%arg12 : memref<128x128xf32, #tpu.memory_space<vmem>>) target_semaphore(%arg18 : memref<!tpu.dma_semaphore, #tpu.memory_space<semaphore_mem>>)
    %dma_wait3A_118 = arith.constant 0 : i32
    %dma_wait3A_119 = arith.constant 0 : i32
    %dma_wait3A_120 = tpu.memref_slice %arg3[%dma_wait3A_118, %dma_wait3A_119] : memref<262144x128xf32, #tpu.memory_space<hbm>> -> memref<128x128xf32, #tpu.memory_space<hbm>>
    %dma_wait3A_121 = arith.constant 0 : i32
    %dma_wait3A_122 = arith.constant 0 : i32
    %dma_wait3A_123 = tpu.memref_slice %arg3[%dma_wait3A_121, %dma_wait3A_122] : memref<262144x128xf32, #tpu.memory_space<hbm>> -> memref<128x128xf32, #tpu.memory_space<hbm>>
    tpu.wait_dma2 semaphore(%arg17 : memref<!tpu.dma_semaphore, #tpu.memory_space<semaphore_mem>>) src(%dma_wait3A_123 : memref<128x128xf32, #tpu.memory_space<hbm>>) dst(%arg11 : memref<128x128xf32, #tpu.memory_space<vmem>>)
    %dma_wait3A_124 = arith.constant 0 : i32
    %dma_wait3A_125 = arith.constant 0 : i32
    %dma_wait3A_126 = tpu.memref_slice %arg4[%dma_wait3A_124, %dma_wait3A_125] : memref<262144x128xf32, #tpu.memory_space<hbm>> -> memref<128x128xf32, #tpu.memory_space<hbm>>
    %dma_wait3A_127 = arith.constant 0 : i32
    %dma_wait3A_128 = arith.constant 0 : i32
    %dma_wait3A_129 = tpu.memref_slice %arg4[%dma_wait3A_127, %dma_wait3A_128] : memref<262144x128xf32, #tpu.memory_space<hbm>> -> memref<128x128xf32, #tpu.memory_space<hbm>>
    tpu.wait_dma2 semaphore(%arg20 : memref<!tpu.dma_semaphore, #tpu.memory_space<semaphore_mem>>) src(%dma_wait3A_129 : memref<128x128xf32, #tpu.memory_space<hbm>>) dst(%arg14 : memref<128x128xf32, #tpu.memory_space<vmem>>)
    %dma_start3A_130 = arith.constant 62 : i32
    %dma_start3A_131 = arith.constant 0 : i32
    %dma_start3A_132 = tpu.memref_slice %arg7[%dma_start3A_130, %dma_start3A_131] : memref<64x128xi32, #tpu.memory_space<vmem>> -> memref<1x128xi32, #tpu.memory_space<vmem>>
    %dma_start3A_133 = tpu.memref_squeeze %dma_start3A_132 : memref<1x128xi32, #tpu.memory_space<vmem>> -> memref<128xi32, #tpu.memory_space<vmem>>
    %dma_start3A_134 = arith.constant 0 : i32
    %dma_start3A_135 = arith.constant 0 : i32
    %dma_start3A_136 = tpu.memref_slice %arg5[%dma_start3A_134, %dma_start3A_135] : memref<262144x128xf32, #tpu.memory_space<hbm>> -> memref<262144x128xf32, #tpu.memory_space<hbm>>
    tpu.enqueue_indirect_dma source(%arg11 : memref<128x128xf32, #tpu.memory_space<vmem>>) target(%dma_start3A_136 : memref<262144x128xf32, #tpu.memory_space<hbm>>) offsets(%dma_start3A_133 : memref<128xi32, #tpu.memory_space<vmem>>) semaphore(%arg23 : memref<!tpu.dma_semaphore, #tpu.memory_space<semaphore_mem>>)
    %dma_start3A_137 = arith.constant 62 : i32
    %dma_start3A_138 = arith.constant 0 : i32
    %dma_start3A_139 = tpu.memref_slice %arg7[%dma_start3A_137, %dma_start3A_138] : memref<64x128xi32, #tpu.memory_space<vmem>> -> memref<1x128xi32, #tpu.memory_space<vmem>>
    %dma_start3A_140 = tpu.memref_squeeze %dma_start3A_139 : memref<1x128xi32, #tpu.memory_space<vmem>> -> memref<128xi32, #tpu.memory_space<vmem>>
    %dma_start3A_141 = arith.constant 0 : i32
    %dma_start3A_142 = arith.constant 0 : i32
    %dma_start3A_143 = tpu.memref_slice %arg6[%dma_start3A_141, %dma_start3A_142] : memref<262144x128xf32, #tpu.memory_space<hbm>> -> memref<262144x128xf32, #tpu.memory_space<hbm>>
    tpu.enqueue_indirect_dma source(%arg14 : memref<128x128xf32, #tpu.memory_space<vmem>>) target(%dma_start3A_143 : memref<262144x128xf32, #tpu.memory_space<hbm>>) offsets(%dma_start3A_140 : memref<128xi32, #tpu.memory_space<vmem>>) semaphore(%arg26 : memref<!tpu.dma_semaphore, #tpu.memory_space<semaphore_mem>>)
    %dma_wait3A_144 = arith.constant 61 : i32
    %dma_wait3A_145 = arith.constant 0 : i32
    %dma_wait3A_146 = tpu.memref_slice %arg7[%dma_wait3A_144, %dma_wait3A_145] : memref<64x128xi32, #tpu.memory_space<vmem>> -> memref<1x128xi32, #tpu.memory_space<vmem>>
    %dma_wait3A_147 = tpu.memref_squeeze %dma_wait3A_146 : memref<1x128xi32, #tpu.memory_space<vmem>> -> memref<128xi32, #tpu.memory_space<vmem>>
    %dma_wait3A_148 = arith.constant 0 : i32
    %dma_wait3A_149 = arith.constant 0 : i32
    %dma_wait3A_150 = tpu.memref_slice %arg5[%dma_wait3A_148, %dma_wait3A_149] : memref<262144x128xf32, #tpu.memory_space<hbm>> -> memref<262144x128xf32, #tpu.memory_space<hbm>>
    tpu.wait_indirect_dma semaphore(%arg22 : memref<!tpu.dma_semaphore, #tpu.memory_space<semaphore_mem>>) src(%arg10 : memref<128x128xf32, #tpu.memory_space<vmem>>) dst(%dma_wait3A_150 : memref<262144x128xf32, #tpu.memory_space<hbm>>)
    %dma_wait3A_151 = arith.constant 61 : i32
    %dma_wait3A_152 = arith.constant 0 : i32
    %dma_wait3A_153 = tpu.memref_slice %arg7[%dma_wait3A_151, %dma_wait3A_152] : memref<64x128xi32, #tpu.memory_space<vmem>> -> memref<1x128xi32, #tpu.memory_space<vmem>>
    %dma_wait3A_154 = tpu.memref_squeeze %dma_wait3A_153 : memref<1x128xi32, #tpu.memory_space<vmem>> -> memref<128xi32, #tpu.memory_space<vmem>>
    %dma_wait3A_155 = arith.constant 0 : i32
    %dma_wait3A_156 = arith.constant 0 : i32
    %dma_wait3A_157 = tpu.memref_slice %arg6[%dma_wait3A_155, %dma_wait3A_156] : memref<262144x128xf32, #tpu.memory_space<hbm>> -> memref<262144x128xf32, #tpu.memory_space<hbm>>
    tpu.wait_indirect_dma semaphore(%arg25 : memref<!tpu.dma_semaphore, #tpu.memory_space<semaphore_mem>>) src(%arg13 : memref<128x128xf32, #tpu.memory_space<vmem>>) dst(%dma_wait3A_157 : memref<262144x128xf32, #tpu.memory_space<hbm>>)
    %dma_wait3A_158 = arith.constant 0 : i32
    %dma_wait3A_159 = arith.constant 0 : i32
    %dma_wait3A_160 = tpu.memref_slice %arg3[%dma_wait3A_158, %dma_wait3A_159] : memref<262144x128xf32, #tpu.memory_space<hbm>> -> memref<128x128xf32, #tpu.memory_space<hbm>>
    %dma_wait3A_161 = arith.constant 0 : i32
    %dma_wait3A_162 = arith.constant 0 : i32
    %dma_wait3A_163 = tpu.memref_slice %arg3[%dma_wait3A_161, %dma_wait3A_162] : memref<262144x128xf32, #tpu.memory_space<hbm>> -> memref<128x128xf32, #tpu.memory_space<hbm>>
    tpu.wait_dma2 semaphore(%arg15 : memref<!tpu.dma_semaphore, #tpu.memory_space<semaphore_mem>>) src(%dma_wait3A_163 : memref<128x128xf32, #tpu.memory_space<hbm>>) dst(%arg9 : memref<128x128xf32, #tpu.memory_space<vmem>>)
    %dma_wait3A_164 = arith.constant 0 : i32
    %dma_wait3A_165 = arith.constant 0 : i32
    %dma_wait3A_166 = tpu.memref_slice %arg4[%dma_wait3A_164, %dma_wait3A_165] : memref<262144x128xf32, #tpu.memory_space<hbm>> -> memref<128x128xf32, #tpu.memory_space<hbm>>
    %dma_wait3A_167 = arith.constant 0 : i32
    %dma_wait3A_168 = arith.constant 0 : i32
    %dma_wait3A_169 = tpu.memref_slice %arg4[%dma_wait3A_167, %dma_wait3A_168] : memref<262144x128xf32, #tpu.memory_space<hbm>> -> memref<128x128xf32, #tpu.memory_space<hbm>>
    tpu.wait_dma2 semaphore(%arg18 : memref<!tpu.dma_semaphore, #tpu.memory_space<semaphore_mem>>) src(%dma_wait3A_169 : memref<128x128xf32, #tpu.memory_space<hbm>>) dst(%arg12 : memref<128x128xf32, #tpu.memory_space<vmem>>)
    %dma_start3A_170 = arith.constant 63 : i32
    %dma_start3A_171 = arith.constant 0 : i32
    %dma_start3A_172 = tpu.memref_slice %arg7[%dma_start3A_170, %dma_start3A_171] : memref<64x128xi32, #tpu.memory_space<vmem>> -> memref<1x128xi32, #tpu.memory_space<vmem>>
    %dma_start3A_173 = tpu.memref_squeeze %dma_start3A_172 : memref<1x128xi32, #tpu.memory_space<vmem>> -> memref<128xi32, #tpu.memory_space<vmem>>
    %dma_start3A_174 = arith.constant 0 : i32
    %dma_start3A_175 = arith.constant 0 : i32
    %dma_start3A_176 = tpu.memref_slice %arg5[%dma_start3A_174, %dma_start3A_175] : memref<262144x128xf32, #tpu.memory_space<hbm>> -> memref<262144x128xf32, #tpu.memory_space<hbm>>
    tpu.enqueue_indirect_dma source(%arg9 : memref<128x128xf32, #tpu.memory_space<vmem>>) target(%dma_start3A_176 : memref<262144x128xf32, #tpu.memory_space<hbm>>) offsets(%dma_start3A_173 : memref<128xi32, #tpu.memory_space<vmem>>) semaphore(%arg21 : memref<!tpu.dma_semaphore, #tpu.memory_space<semaphore_mem>>)
    %dma_start3A_177 = arith.constant 63 : i32
    %dma_start3A_178 = arith.constant 0 : i32
    %dma_start3A_179 = tpu.memref_slice %arg7[%dma_start3A_177, %dma_start3A_178] : memref<64x128xi32, #tpu.memory_space<vmem>> -> memref<1x128xi32, #tpu.memory_space<vmem>>
    %dma_start3A_180 = tpu.memref_squeeze %dma_start3A_179 : memref<1x128xi32, #tpu.memory_space<vmem>> -> memref<128xi32, #tpu.memory_space<vmem>>
    %dma_start3A_181 = arith.constant 0 : i32
    %dma_start3A_182 = arith.constant 0 : i32
    %dma_start3A_183 = tpu.memref_slice %arg6[%dma_start3A_181, %dma_start3A_182] : memref<262144x128xf32, #tpu.memory_space<hbm>> -> memref<262144x128xf32, #tpu.memory_space<hbm>>
    tpu.enqueue_indirect_dma source(%arg12 : memref<128x128xf32, #tpu.memory_space<vmem>>) target(%dma_start3A_183 : memref<262144x128xf32, #tpu.memory_space<hbm>>) offsets(%dma_start3A_180 : memref<128xi32, #tpu.memory_space<vmem>>) semaphore(%arg24 : memref<!tpu.dma_semaphore, #tpu.memory_space<semaphore_mem>>)
    %dma_wait3A_184 = arith.constant 62 : i32
    %dma_wait3A_185 = arith.constant 0 : i32
    %dma_wait3A_186 = tpu.memref_slice %arg7[%dma_wait3A_184, %dma_wait3A_185] : memref<64x128xi32, #tpu.memory_space<vmem>> -> memref<1x128xi32, #tpu.memory_space<vmem>>
    %dma_wait3A_187 = tpu.memref_squeeze %dma_wait3A_186 : memref<1x128xi32, #tpu.memory_space<vmem>> -> memref<128xi32, #tpu.memory_space<vmem>>
    %dma_wait3A_188 = arith.constant 0 : i32
    %dma_wait3A_189 = arith.constant 0 : i32
    %dma_wait3A_190 = tpu.memref_slice %arg5[%dma_wait3A_188, %dma_wait3A_189] : memref<262144x128xf32, #tpu.memory_space<hbm>> -> memref<262144x128xf32, #tpu.memory_space<hbm>>
    tpu.wait_indirect_dma semaphore(%arg23 : memref<!tpu.dma_semaphore, #tpu.memory_space<semaphore_mem>>) src(%arg11 : memref<128x128xf32, #tpu.memory_space<vmem>>) dst(%dma_wait3A_190 : memref<262144x128xf32, #tpu.memory_space<hbm>>)
    %dma_wait3A_191 = arith.constant 62 : i32
    %dma_wait3A_192 = arith.constant 0 : i32
    %dma_wait3A_193 = tpu.memref_slice %arg7[%dma_wait3A_191, %dma_wait3A_192] : memref<64x128xi32, #tpu.memory_space<vmem>> -> memref<1x128xi32, #tpu.memory_space<vmem>>
    %dma_wait3A_194 = tpu.memref_squeeze %dma_wait3A_193 : memref<1x128xi32, #tpu.memory_space<vmem>> -> memref<128xi32, #tpu.memory_space<vmem>>
    %dma_wait3A_195 = arith.constant 0 : i32
    %dma_wait3A_196 = arith.constant 0 : i32
    %dma_wait3A_197 = tpu.memref_slice %arg6[%dma_wait3A_195, %dma_wait3A_196] : memref<262144x128xf32, #tpu.memory_space<hbm>> -> memref<262144x128xf32, #tpu.memory_space<hbm>>
    tpu.wait_indirect_dma semaphore(%arg26 : memref<!tpu.dma_semaphore, #tpu.memory_space<semaphore_mem>>) src(%arg14 : memref<128x128xf32, #tpu.memory_space<vmem>>) dst(%dma_wait3A_197 : memref<262144x128xf32, #tpu.memory_space<hbm>>)
    %dma_wait3A_198 = arith.constant 63 : i32
    %dma_wait3A_199 = arith.constant 0 : i32
    %dma_wait3A_200 = tpu.memref_slice %arg7[%dma_wait3A_198, %dma_wait3A_199] : memref<64x128xi32, #tpu.memory_space<vmem>> -> memref<1x128xi32, #tpu.memory_space<vmem>>
    %dma_wait3A_201 = tpu.memref_squeeze %dma_wait3A_200 : memref<1x128xi32, #tpu.memory_space<vmem>> -> memref<128xi32, #tpu.memory_space<vmem>>
    %dma_wait3A_202 = arith.constant 0 : i32
    %dma_wait3A_203 = arith.constant 0 : i32
    %dma_wait3A_204 = tpu.memref_slice %arg5[%dma_wait3A_202, %dma_wait3A_203] : memref<262144x128xf32, #tpu.memory_space<hbm>> -> memref<262144x128xf32, #tpu.memory_space<hbm>>
    tpu.wait_indirect_dma semaphore(%arg21 : memref<!tpu.dma_semaphore, #tpu.memory_space<semaphore_mem>>) src(%arg9 : memref<128x128xf32, #tpu.memory_space<vmem>>) dst(%dma_wait3A_204 : memref<262144x128xf32, #tpu.memory_space<hbm>>)
    %dma_wait3A_205 = arith.constant 63 : i32
    %dma_wait3A_206 = arith.constant 0 : i32
    %dma_wait3A_207 = tpu.memref_slice %arg7[%dma_wait3A_205, %dma_wait3A_206] : memref<64x128xi32, #tpu.memory_space<vmem>> -> memref<1x128xi32, #tpu.memory_space<vmem>>
    %dma_wait3A_208 = tpu.memref_squeeze %dma_wait3A_207 : memref<1x128xi32, #tpu.memory_space<vmem>> -> memref<128xi32, #tpu.memory_space<vmem>>
    %dma_wait3A_209 = arith.constant 0 : i32
    %dma_wait3A_210 = arith.constant 0 : i32
    %dma_wait3A_211 = tpu.memref_slice %arg6[%dma_wait3A_209, %dma_wait3A_210] : memref<262144x128xf32, #tpu.memory_space<hbm>> -> memref<262144x128xf32, #tpu.memory_space<hbm>>
    tpu.wait_indirect_dma semaphore(%arg24 : memref<!tpu.dma_semaphore, #tpu.memory_space<semaphore_mem>>) src(%arg12 : memref<128x128xf32, #tpu.memory_space<vmem>>) dst(%dma_wait3A_211 : memref<262144x128xf32, #tpu.memory_space<hbm>>)
    return
  }
}

</mosaic_0001>

<sc_bundles>
// kernel: kernel.3.cloned.1.call-start
scs
__scs_entry_jumppad:
0x0: {  	(pc) =	sbr.rel $0x88, $3  }
0x1: {  	(tag) =	ssettag $0x0;
	lr =	simm.s32 $0x1  }
0x2: {  	[smem:$0x3F9E] =	sst lr;
	_ =	strace $0xD0000000  }
0x3: {  	_ = 	snop  }
0x4: {  	_ = 	snop  }
0x5: {  	_ = 	snop  }
0x6: {  	_ = 	snop  }
0x7: {  	_ = 	snop  }
__scs_overlays_trampoline_lowered:
0x8: {  	[smem:$0x3FAD] =	sst s0  }
0x9: {  	[smem:$0x3FAE] =	sst s1  }
0xa: {  	[smem:$0x3FAF] =	sst s2  }
0xb: {  	[smem:$0x3FB0] =	sst s3  }
0xc: {  	[smem:$0x3FB1] =	sst s4  }
0xd: {  	[smem:$0x3FB2] =	sst s5  }
0xe: {  	[smem:$0x3FB3] =	sst s6  }
0xf: {  	[smem:$0x3FB4] =	sst s7  }
0x10: {  	[smem:$0x3FB5] =	sst s8  }
0x11: {  	[smem:$0x3FB6] =	sst s9;
	s0 =	simm.s32 @!p0 $0x0  }
0x12: {  	s1 =	sld [smem:$0x3F9C];
	s0 =	simm.s32 @p0 $0x1  }
0x13: {  	[smem:$0x3FB7] =	sst s0;
	s0 =	simm.s32 @!p1 $0x0  }
0x14: {  	s2 =	sld [smem:$0x3F9B];
	s0 =	simm.s32 @p1 $0x1  }
0x15: {  	[smem:$0x3FB8] =	sst s0;
	s0 =	simm.s32 @!p2 $0x0  }
0x16: {  	s3 =	sld [smem:$0x3FDB];
	s0 =	simm.s32 @p2 $0x1  }
0x17: {  	s4 =	simm.s32 $0x1BF5;
	[smem:$0x3FBA] =	sst s0  }
0x18: {  	s0 =	sld [smem:$0x3F9D];
	_ =	swait.ge [sflag:s4], $0x0  }
0x19: {  	s7 =	sld [smem:$0x3F9E]  }
0x1a: {  	s8 =	sadd.s32 $0xFFFFE003, lr  }
0x1b: {  	s9 =	sadd.s32 $0xFFFFFEF7, lr;
	s5 =	simm.s32 $0xFFFFFFFF;
	p2 =	slt.u32 s8, $0xFFFFF086  }
0x1c: {  	p1 =	slt.u32 s9, $0xF7A;
	s5 =	simm.s32 @!p2 $0x0  }
0x1d: {  	s5 =	simm.s32 @p1 $0x1;
	p0 =	seq.s32 s7, s2  }
0x1e: {  	s7 =	smul.u32 @!p0 $0xF7A, s2;
	p2 =	seq.s32 @!p0 s5, $0x0  }
0x1f: {  	s9 =	smul.u32 $0xF7A, s1;
	s8 =	simm.s32 @!p0 $0x1BF5;
	p2 =	por !p2, p0  }
0x20: {  	[sflag:s8] =	ssyncset.s32 @!p0 $0xFFFFF086;
	s6 =	sadd.s32 @!p0 s3, s7;
	s7 =	simm.s32 @!p0 $0x108  }
0x21: {  	s3 =	sadd.s32 s3, s9;
	s6 =	sadd.s32 @!p0 $0x88, s6;
	s7 =	simm.s32 @p2 $0x1082  }
0x22: {  	[simem:s7], [sflag:s8] =	dma.local @!p0 [hbm:s6], $0xF7A  }
0x23: {  	s9 =	sor.u32 $0xD0000000, s2;
	s6 =	simm.s32 $0x108;
	_ =	swait.ge @!p0 [sflag:s8], $0x0  }
0x24: {  	s3 =	sadd.s32 $0x88, s3;
	s6 =	simm.s32 @!p1 $0x1082;
	[sflag:s4] =	ssyncset.s32 $0xFFFFF086  }
0x25: {  	[simem:s6], [sflag:s4] =	dma.local [hbm:s3], $0xF7A  }
0x26: {  	[smem:$0x3F9E] =	sst s1;
	(tag) =	ssettag s2;
	_ =	strace s9  }
0x27: {  	s1 =	sld [smem:$0x3FAE]  }
0x28: {  	s2 =	sld [smem:$0x3FAF]  }
0x29: {  	s4 =	sld [smem:$0x3FB1]  }
0x2a: {  	p0 =	seq.s32 s5, $0x0;
	s5 =	sld [smem:$0x3FB2]  }
0x2b: {  	s6 =	sld [smem:$0x3FB3]  }
0x2c: {  	s7 =	sld [smem:$0x3FB4]  }
0x2d: {  	s3 =	simm.s32 $0x108;
	s8 =	sld [smem:$0x3FB5]  }
0x2e: {  	s3 =	simm.s32 @!p0 $0x1082;
	s9 =	sld [smem:$0x3FB6]  }
0x2f: {  	lr =	sadd.s32 s0, s3;
	s0 =	sld [smem:$0x3FAD]  }
0x30: {  	s3 =	sld [smem:$0x3FB0]  }
0x31: {  	[smem:$0x3FB9] =	sst s10  }
0x32: {  	s10 =	sld [smem:$0x3FB7];
	_ =	sdelay $0x3  }
0x33: {  	p0 =	seq.s32 s10, $0x1;
	s10 =	sld [smem:$0x3FB9];
	_ =	sdelay $0x3  }
0x34: {  	[smem:$0x3FB9] =	sst s10  }
0x35: {  	s10 =	sld [smem:$0x3FB8];
	_ =	sdelay $0x3  }
0x36: {  	p1 =	seq.s32 s10, $0x1;
	s10 =	sld [smem:$0x3FB9];
	_ =	sdelay $0x3  }
0x37: {  	[smem:$0x3FB9] =	sst s10  }
0x38: {  	s10 =	sld [smem:$0x3FBA]  }
0x39: {  	_ = 	snop;
	(pc) =	sbr.ind lr, $3  }
0x3a: {  	_ = 	snop  }
0x3b: {  	_ = 	snop  }
0x3c: {  	p2 =	seq.s32 s10, $0x1;
	s10 =	sld [smem:$0x3FB9]  }
0x3d: {  	_ =	shalt  }
0x3e: {  	_ =	shalt  }
0x3f: {  	_ =	shalt  }
0x40: {  	_ =	shalt  }
0x41: {  	_ =	shalt  }
0x42: {  	_ =	shalt  }
0x43: {  	_ =	shalt  }
0x44: {  	_ =	shalt  }
0x45: {  	_ =	shalt  }
0x46: {  	_ =	shalt  }
0x47: {  	_ =	shalt  }
0x48: {  	_ =	shalt  }
0x49: {  	_ =	shalt  }
0x4a: {  	_ =	shalt  }
0x4b: {  	_ =	shalt  }
0x4c: {  	_ =	shalt  }
0x4d: {  	_ =	shalt  }
0x4e: {  	_ =	shalt  }
0x4f: {  	_ =	shalt  }
0x50: {  	_ =	shalt  }
0x51: {  	_ =	shalt  }
0x52: {  	_ =	shalt  }
0x53: {  	_ =	shalt  }
0x54: {  	_ =	shalt  }
0x55: {  	_ =	shalt  }
0x56: {  	_ =	shalt  }
0x57: {  	_ =	shalt  }
0x58: {  	_ =	shalt  }
0x59: {  	_ =	shalt  }
0x5a: {  	_ =	shalt  }
0x5b: {  	_ =	shalt  }
0x5c: {  	_ =	shalt  }
0x5d: {  	_ =	shalt  }
0x5e: {  	_ =	shalt  }
0x5f: {  	_ =	shalt  }
0x60: {  	_ =	shalt  }
0x61: {  	_ =	shalt  }
0x62: {  	_ =	shalt  }
0x63: {  	_ =	shalt  }
0x64: {  	_ =	shalt  }
0x65: {  	_ =	shalt  }
0x66: {  	_ =	shalt  }
0x67: {  	_ =	shalt  }
0x68: {  	_ =	shalt  }
0x69: {  	_ =	shalt  }
0x6a: {  	_ =	shalt  }
0x6b: {  	_ =	shalt  }
0x6c: {  	_ =	shalt  }
0x6d: {  	_ =	shalt  }
0x6e: {  	_ =	shalt  }
0x6f: {  	_ =	shalt  }
0x70: {  	_ =	shalt  }
0x71: {  	_ =	shalt  }
0x72: {  	_ =	shalt  }
0x73: {  	_ =	shalt  }
0x74: {  	_ =	shalt  }
0x75: {  	_ =	shalt  }
0x76: {  	_ =	shalt  }
0x77: {  	_ =	shalt  }
0x78: {  	_ =	shalt  }
0x79: {  	_ =	shalt  }
0x7a: {  	_ =	shalt  }
0x7b: {  	_ =	shalt  }
0x7c: {  	_ =	shalt  }
0x7d: {  	_ =	shalt  }
0x7e: {  	_ =	shalt  }
0x7f: {  	_ =	shalt  }
0x80: {  	_ =	shalt  }
0x81: {  	_ =	shalt  }
0x82: {  	_ =	shalt  }
0x83: {  	_ =	shalt  }
0x84: {  	_ =	shalt  }
0x85: {  	_ =	shalt  }
0x86: {  	_ =	shalt  }
0x87: {  	_ =	shalt  }
.Lfunc_end0:
.L_simem_size_0:
called_computation_lowered:
.L_overlay_start_0:
0x88: {  	s2 =	sld [smem:$0x3FD9]  }
0x89: {  	s3 =	sld [smem:$0x3FFE];
	_ =	sdelay $0x1  }
0x8a: {  	s1 =	srdreg.scid  }
0x8b: {  	s0 =	sand.u32 $0x1, s1  }
0x8c: {  	s15 =	sshll.u32 s0, $0xA;
	s2 =	sadd.s32 s3, s2  }
0x8d: {  	s2 =	sadd.s32 s2, s15  }
0x8e: {  	[smem:$0x3FC5] =	sst s2  }
0x8f: {  	_ = 	snop  }
0x90: {  	s2 =	sld [smem:$0x3FD0]  }
0x91: {  	s16 =	sld [smem:$0x3FC9]  }
0x92: {  	s4 =	sld [smem:$0x3FC8]  }
0x93: {  	s6 =	simm.s32 $0xA;
	s7 =	simm.s32 $0x10;
	s5 =	sld [smem:$0x3FC7]  }
0x94: {  	[smem:s7], [sflag:s6] =	dma.local [hbm:s2], $0x1  }
0x95: {  	_ =	swait.eq [sflag:s6], $0x1  }
0x96: {  	[sflag:s6] =	ssyncset.done $0x0  }
0x97: {  	s17 =	sld [smem:$0x10];
	[sflag:s6] =	ssyncadd.s32 $0xFFFFFFFF  }
0x98: {  	s18 =	sld [smem:$0x11];
	(tm) =	ssettm $0x1  }
0x99: {  	s19 =	sld [smem:$0x3FFB];
	_ =	sdelay $0x3  }
0x9a: {  	_ =	strace s19  }
0x9b: {  	s7 =	sld [smem:$0x3FFC];
	_ =	sdelay $0x3  }
0x9c: {  	_ =	strace s7  }
0x9d: {  	s7 =	sld [smem:$0x3FFD];
	_ =	sdelay $0x3  }
0x9e: {  	_ =	strace s7  }
0x9f: {  	_ =	strace $0x8FFFFFFF  }
0xa0: {  	s20 =	sld [smem:$0x3FDB];
	_ =	sdelay $0x1  }
0xa1: {  	s8 =	simm.s32 $_scs_section_size  }
0xa2: {  	s9 =	simm.s32 $_size__tile_overlayer_lowered;
	s10 =	simm.s32 $_tile_overlayer_lowered  }
0xa3: {  	s23 =	simm.s32 $0x1BFF;
	s22 =	sshll.u32 s10, $0x1;
	s7 =	sadd.s32 s8, s20  }
0xa4: {  	s11 =	simm.s32 $0x0;
	s21 =	sshll.u32 s9, $0x1;
	s9 =	sadd.s32 s22, s7  }
0xa5: {  	[timem:s11], [sflag:s23] =	dma.local [hbm:s9], s21  }
0xa6: {  	_ =	swait.ge [sflag:s23], s21  }
0xa7: {  	s8 =	ssub.s32 $0x0, s21;
	[sflag:s23] =	ssyncset.done $0x0  }
0xa8: {  	[sflag:s23] =	ssyncadd.s32 s8;
	_ =	sdelay $0x1  }
0xa9: {  	s24 =	simm.s32 $0x1B8B  }
0xaa: {  	_ =	swait.ge [sflag:s24], $0x1  }
0xab: {  	[sflag:s24] =	ssyncset.done $0x0  }
0xac: {  	s25 =	simm.s32 $0x1B8E;
	[sflag:s24] =	ssyncadd.s32 $0xFFFFFFFF  }
0xad: {  	s26 =	simm.s32 $execute0_lowered;
	[smem:$0x3FD2] =	sst s25  }
0xae: {  	s8 =	sshll.u32 s26, $0x1;
	_ =	strace $0x80000046;
	[dreg:$0x1] =	wrdreg $0xFFFFFFFF  }
0xaf: {  	s28 =	simm.s32 $_size_execute0_lowered;
	s7 =	sadd.s32 s7, s8;
	[dreg:$0x0] =	wrdreg $0x0  }
0xb0: {  	s8 =	sshll.u32 s28, $0x1;
	[dreg:$0x2] =	wrdreg s7  }
0xb1: {  	[dreg:$0x3] =	wrdreg s8  }
0xb2: {  	[dreg:$0x4] =	wrdreg $0xC0  }
0xb3: {  	_ =	task [dreg:s11], $0x5FFFF  }
0xb4: {  	[dreg:$0x1] =	wrdreg $0xFFFFFFFF  }
0xb5: {  	[dreg:$0x0] =	wrdreg $0x60  }
0xb6: {  	[dreg:$0x2] =	wrdreg s16  }
0xb7: {  	[dreg:$0x3] =	wrdreg s4  }
0xb8: {  	[dreg:$0x4] =	wrdreg s5  }
0xb9: {  	[dreg:$0x5] =	wrdreg s17  }
0xba: {  	[dreg:$0x6] =	wrdreg s18  }
0xbb: {  	[dreg:$0x7] =	wrdreg $0x9  }
0xbc: {  	_ =	task.clear_ibuf [dreg:s11], $0x8FFFF;
	_ =	strace $0x90000046  }
0xbd: {  	s29 =	simm.s32 $0x9;
	_ =	strace $0x80000048  }
0xbe: {  	_ =	swait.ge [sflag:s29], $0x1  }
0xbf: {  	[sflag:s29] =	ssyncadd.s32 $0xFFFFFFFF  }
0xc0: {  	_ =	strace $0x90000048  }
0xc1: {  	_ =	sfence  }
0xc2: {  	s30 =	sld [smem:$0x0];
	_ =	sdelay $0x2  }
0xc3: {  	s31 =	sshll.u32 s1, $0xD;
	s1 =	sshrl.u32 s1, $0x2  }
0xc4: {  	s3 =	sand.u32 $0x4000, s31;
	s1 =	sadd.s32 s1, s30  }
0xc5: {  	s0 =	sor.u32 s3, s0;
	s1 =	sshll.u32 s1, $0x11  }
0xc6: {  	s0 =	sor.u32 s1, s0  }
0xc7: {  	s0 =	sadd.s32 $0x8F2B, s0  }
0xc8: {  	[sflag:s0] =	ssyncadd.remote.s32 $0x1  }
0xc9: {  	_ =	sfence.sel $0xFFFF  }
0xca: {  	[dreg:$0x0] =	wrdreg $0xFFFFFFFF;
	(pc) =	sbr.abs _section_cstart, $3  }
0xcb: {  	[dreg:$0x1] =	wrdreg $0xFFFFFFFF  }
0xcc: {  	_ =	task.clear_ibuf [dreg:s11], $0x2FFFF;
	_ =	strace $0x9FFFFFFF  }
0xcd: {  	(tm) =	ssettm $0x7FFFFFFF  }
tec
execute0_lowered:
.L_overlay_start_1:
0x0: {  	(tag) =	ssettag $0x1  }
0x1: {  	s0 =	rddreg [dreg:$0x1]  }
0x2: {  	s1 =	rddreg [dreg:$0x2]  }
0x3: {  	s3 =	rddreg [dreg:$0x3]  }
0x4: {  	s4 =	rddreg [dreg:$0x4]  }
0x5: {  	s2 =	srdreg.scid;
	s11 =	stileid.u32;
	s5 =	simm.s32 $0x0  }
0x6: {  	s17 =	simm.s32 $0xD;
	s28 =	simm.s32 $0x2;
	s29 =	simm.s32 $0x5  }
0x7: {  	s30 =	simm.s32 $0x7;
	s31 =	simm.s32 $0xA;
	s16 =	simm.s32 $0xB  }
0x8: {  	s2 =	sand.u32 $0x1, s2;
	s7 =	sshll.u32 s11, $0x1;
	[smem:$0x7FF] =	sst s5  }
0x9: {  	s23 =	sshll.u32 s11, $0x12;
	s11 =	simm.s32 $0x0;
	s6 =	ssub.s32 $0x2, s2  }
0xa: {  	s7 =	sor.u32 s2, s7;
	_ =	strace $0x80000047;
	s24 =	sadd.s32 s23, s0  }
0xb: {  	s2 =	sshll.u32 s2, $0x11;
	s8 =	sshrl.u32 s6, $0x1;
	s9 =	sshll.u32 s7, $0x11  }
0xc: {  	s8 =	ssub.s32 s6, s8;
	s6 =	sshll.u32 s7, $0xD;
	s18 =	sadd.s32 s0, s9  }
0xd: {  	s19 =	sor.u32 $0x800, s9;
	s10 =	sadd.s32 s1, s9;
	[dreg:$0x8] =	wrdreg s18  }
0xe: {  	s21 =	sor.u32 $0x1000, s9;
	s9 =	sor.u32 $0x1F800, s9;
	[dreg:$0x9] =	wrdreg s10  }
0xf: {  	s20 =	sadd.s32 s0, s19;
	s7 =	sadd.s32 s1, s19;
	s22 =	sadd.s32 s0, s21  }
0x10: {  	s10 =	sadd.s32 s1, s21;
	s0 =	sadd.s32 s0, s9;
	[dreg:$0xa] =	wrdreg s20  }
0x11: {  	s26 =	smax.u32 s8, $0x1;
	s18 =	simm.s32 $0x2800;
	[dreg:$0xb] =	wrdreg s7  }
0x12: {  	s19 =	simm.s32 $0xE800;
	s21 =	simm.s32 $0x12800;
	[dreg:$0xc] =	wrdreg s22  }
0x13: {  	s8 =	simm.s32 $0xC;
	[dreg:$0xd] =	wrdreg s10;
	s10 =	sadd.s32 s2, s24  }
0x14: {  	s7 =	sadd.s32 s23, s1;
	[dreg:$0xe] =	wrdreg s0;
	s1 =	sadd.s32 s1, s9  }
0x15: {  	[dreg:$0x10] =	wrdreg s26;
	s20 =	simm.s32 $0x6800;
	s22 =	simm.s32 $0xA800  }
0x16: {  	s23 =	simm.s32 $0x16800;
	s24 =	simm.s32 $0x1;
	s26 =	simm.s32 $0x80  }
0x17: {  	s0 =	simm.s32 $0x3;
	[dreg:$0x6] =	wrdreg s10;
	s25 =	sadd.s32 s2, s7  }
0x18: {  	[dreg:$0xf] =	wrdreg s1;
	s2 =	simm.s32 $0x6;
	s1 =	simm.s32 $0x8  }
0x19: {  	s7 =	simm.s32 $0x9;
	[dreg:$0x7] =	wrdreg s25;
	s25 =	simm.s32 $0x4  }
.LBB2_1:
0x1a: {  	s9 =	rddreg [dreg:$0x0];
	s10 =	simm.s32 $0x2000  }
0x1b: {  	[tilespmem:s10], [sflag:$0xD] =	stream.linear.gather [hbm4b:s9+s5], $0x800, $0x38;
	[tilespmem:$0x1A800] =	vst v63  }
0x1c: {  	_ =	swait.ge [sflag:s17], $0x800  }
0x1d: {  	[sflag:s17] =	ssyncset.done $0x0  }
0x1e: {  	s14 =	rddreg [dreg:$0x8];
	[sflag:s17] =	ssyncadd.s32 $0xFFFFF800  }
0x1f: {  	[tilespmem:s18], [sflag:$0x1] =	stream.linear.gather [hbm4b:s14+s5], $0x4000, $0x38;
	[tilespmem:$0x1A800] =	vst v63  }
0x20: {  	s15 =	rddreg [dreg:$0x9]  }
0x21: {  	[tilespmem:s19], [sflag:$0x4] =	stream.linear.gather [hbm4b:s15+s5], $0x4000, $0x38;
	[tilespmem:$0x1A800] =	vst v63  }
0x22: {  	s10 =	rddreg [dreg:$0xa]  }
0x23: {  	[tilespmem:s20], [sflag:$0x2] =	stream.linear.gather [hbm4b:s10+s5], $0x4000, $0x38;
	[tilespmem:$0x1A800] =	vst v63  }
0x24: {  	s12 =	rddreg [dreg:$0xb]  }
0x25: {  	[tilespmem:s21], [sflag:$0x5] =	stream.linear.gather [hbm4b:s12+s5], $0x4000, $0x38;
	[tilespmem:$0x1A800] =	vst v63  }
0x26: {  	s13 =	rddreg [dreg:$0xc]  }
0x27: {  	[tilespmem:s22], [sflag:$0x3] =	stream.linear.gather [hbm4b:s13+s5], $0x4000, $0x38;
	[tilespmem:$0x1A800] =	vst v63  }
0x28: {  	s14 =	rddreg [dreg:$0xd];
	s15 =	sand.u32 $0x780, s5  }
0x29: {  	[tilespmem:s23], [sflag:$0x6] =	stream.linear.gather [hbm4b:s14+s5], $0x4000, $0x38;
	[tilespmem:$0x1A800] =	vst v63  }
0x2a: {  	v0 =	vld [tilespmem:s15+$0x2000];
	_ =	sdelay $0x2  }
0x2b: {  	s12 =	sand.u32 $0x1800, s5  }
0x2c: {  	s13 =	sor.u32 s6, s12  }
0x2d: {  	s12 =	simm.s32 $0x40;
	v0 =	vadd.s32 s13, v0  }
0x2e: {  	[tilespmem:s12+$0xFFFFFFC0] =	vst v0  }
0x2f: {  	v0 =	vld [tilespmem:s15+$0x2010];
	_ =	sdelay $0x4  }
0x30: {  	v0 =	vadd.s32 s13, v0  }
0x31: {  	[tilespmem:s12+$0xFFFFFFD0] =	vst v0  }
0x32: {  	v0 =	vld [tilespmem:s15+$0x2020];
	_ =	sdelay $0x4  }
0x33: {  	v0 =	vadd.s32 s13, v0  }
0x34: {  	[tilespmem:s12+$0xFFFFFFE0] =	vst v0  }
0x35: {  	v0 =	vld [tilespmem:s15+$0x2030];
	_ =	sdelay $0x4  }
0x36: {  	v0 =	vadd.s32 s13, v0  }
0x37: {  	[tilespmem:s12+$0xFFFFFFF0] =	vst v0  }
0x38: {  	v0 =	vld [tilespmem:s15+$0x2040];
	_ =	sdelay $0x4  }
0x39: {  	v0 =	vadd.s32 s13, v0  }
0x3a: {  	[tilespmem:s12+$0x0] =	vst v0  }
0x3b: {  	v0 =	vld [tilespmem:s15+$0x2050];
	_ =	sdelay $0x4  }
0x3c: {  	v0 =	vadd.s32 s13, v0  }
0x3d: {  	[tilespmem:s12+$0x10] =	vst v0  }
0x3e: {  	v0 =	vld [tilespmem:s15+$0x2060];
	_ =	sdelay $0x4  }
0x3f: {  	v0 =	vadd.s32 s13, v0  }
0x40: {  	[tilespmem:s12+$0x20] =	vst v0  }
0x41: {  	v0 =	vld [tilespmem:s15+$0x2070];
	_ =	sdelay $0x4  }
0x42: {  	s14 =	simm.s32 $0x80;
	v0 =	vadd.s32 s13, v0  }
0x43: {  	s15 =	simm.s32 $0x100;
	s13 =	sand.u32 $0x780, s14;
	[tilespmem:s12+$0x30] =	vst v0  }
.LBB2_2:
0x44: {  	p0 =	sne.s32 s15, $0x1F80;
	v0 =	vld [tilespmem:s13+$0x2000];
	_ =	sdelay $0x2  }
0x45: {  	s9 =	sand.u32 $0x1800, s14;
	s14 =	smov.u32 s15  }
0x46: {  	s9 =	sor.u32 s6, s9  }
0x47: {  	s12 =	sadd.s32 $0x80, s12;
	v0 =	vadd.s32 s9, v0  }
0x48: {  	[tilespmem:s12+$0xFFFFFFC0] =	vst v0  }
0x49: {  	v0 =	vld [tilespmem:s13+$0x2010];
	_ =	sdelay $0x4  }
0x4a: {  	v0 =	vadd.s32 s9, v0  }
0x4b: {  	[tilespmem:s12+$0xFFFFFFD0] =	vst v0  }
0x4c: {  	v0 =	vld [tilespmem:s13+$0x2020];
	_ =	sdelay $0x4  }
0x4d: {  	v0 =	vadd.s32 s9, v0  }
0x4e: {  	[tilespmem:s12+$0xFFFFFFE0] =	vst v0  }
0x4f: {  	v0 =	vld [tilespmem:s13+$0x2030];
	_ =	sdelay $0x4  }
0x50: {  	v0 =	vadd.s32 s9, v0  }
0x51: {  	[tilespmem:s12+$0xFFFFFFF0] =	vst v0  }
0x52: {  	v0 =	vld [tilespmem:s13+$0x2040];
	_ =	sdelay $0x4  }
0x53: {  	v0 =	vadd.s32 s9, v0  }
0x54: {  	[tilespmem:s12+$0x0] =	vst v0  }
0x55: {  	v0 =	vld [tilespmem:s13+$0x2050];
	_ =	sdelay $0x4  }
0x56: {  	v0 =	vadd.s32 s9, v0  }
0x57: {  	[tilespmem:s12+$0x10] =	vst v0  }
0x58: {  	v0 =	vld [tilespmem:s13+$0x2060];
	_ =	sdelay $0x4  }
0x59: {  	v0 =	vadd.s32 s9, v0  }
0x5a: {  	[tilespmem:s12+$0x20] =	vst v0  }
0x5b: {  	v0 =	vld [tilespmem:s13+$0x2070];
	_ =	sdelay $0x1  }
.Ltmp0:
0x5c: {  	(pc) =	sbr.rel @p0 .LBB2_2-.Ltmp0, $3  }
0x5d: {  	_ =	sdelay $0x1  }
0x5e: {  	v0 =	vadd.s32 s9, v0  }
0x5f: {  	s15 =	sadd.s32 $0x80, s15;
	s13 =	sand.u32 $0x780, s14;
	[tilespmem:s12+$0x30] =	vst v0  }
0x60: {  	v0 =	vld [tilespmem:s13+$0x2000];
	_ =	sdelay $0x2  }
0x61: {  	s9 =	sand.u32 $0x1800, s14  }
0x62: {  	s9 =	sor.u32 s6, s9  }
0x63: {  	s12 =	sadd.s32 $0x80, s12;
	v0 =	vadd.s32 s9, v0  }
0x64: {  	[tilespmem:s12+$0xFFFFFFC0] =	vst v0  }
0x65: {  	v0 =	vld [tilespmem:s13+$0x2010];
	_ =	sdelay $0x4  }
0x66: {  	v0 =	vadd.s32 s9, v0  }
0x67: {  	[tilespmem:s12+$0xFFFFFFD0] =	vst v0  }
0x68: {  	v0 =	vld [tilespmem:s13+$0x2020];
	_ =	sdelay $0x4  }
0x69: {  	v0 =	vadd.s32 s9, v0  }
0x6a: {  	[tilespmem:s12+$0xFFFFFFE0] =	vst v0  }
0x6b: {  	v0 =	vld [tilespmem:s13+$0x2030];
	_ =	sdelay $0x4  }
0x6c: {  	v0 =	vadd.s32 s9, v0  }
0x6d: {  	[tilespmem:s12+$0xFFFFFFF0] =	vst v0  }
0x6e: {  	v0 =	vld [tilespmem:s13+$0x2040];
	_ =	sdelay $0x4  }
0x6f: {  	v0 =	vadd.s32 s9, v0  }
0x70: {  	[tilespmem:s12+$0x0] =	vst v0  }
0x71: {  	v0 =	vld [tilespmem:s13+$0x2050];
	_ =	sdelay $0x4  }
0x72: {  	v0 =	vadd.s32 s9, v0  }
0x73: {  	[tilespmem:s12+$0x10] =	vst v0  }
0x74: {  	v0 =	vld [tilespmem:s13+$0x2060];
	_ =	sdelay $0x4  }
0x75: {  	v0 =	vadd.s32 s9, v0  }
0x76: {  	[tilespmem:s12+$0x20] =	vst v0  }
0x77: {  	v0 =	vld [tilespmem:s13+$0x2070];
	_ =	sdelay $0x4  }
0x78: {  	v0 =	vadd.s32 s9, v0  }
0x79: {  	[tilespmem:s12+$0x30] =	vst v0  }
0x7a: {  	_ =	swait.ge [sflag:s24], $0x4000  }
0x7b: {  	[sflag:s24] =	ssyncset.done $0x0  }
0x7c: {  	[sflag:s24] =	ssyncadd.s32 $0xFFFFC000  }
0x7d: {  	_ =	swait.ge [sflag:s25], $0x4000  }
0x7e: {  	[sflag:s25] =	ssyncset.done $0x0  }
0x7f: {  	s12 =	simm.s32 $0x0;
	[sflag:s25] =	ssyncadd.s32 $0xFFFFC000  }
0x80: {  	[hbm4b:s3+s26] =	stream.indirect.scatter [tilespmem:s18], [sflag:$0x7], $0x80, s12, s26, $0xb8;
	[tilespmem:$0x1A800] =	vst v63  }
0x81: {  	_ = 	snop  }
0x82: {  	[hbm4b:s4+s26] =	stream.indirect.scatter [tilespmem:s19], [sflag:$0xA], $0x80, s12, s26, $0xb8;
	[tilespmem:$0x1A800] =	vst v63  }
0x83: {  	_ =	swait.ge [sflag:s28], $0x4000  }
0x84: {  	[sflag:s28] =	ssyncset.done $0x0  }
0x85: {  	[sflag:s28] =	ssyncadd.s32 $0xFFFFC000  }
0x86: {  	_ =	swait.ge [sflag:s29], $0x4000  }
0x87: {  	[sflag:s29] =	ssyncset.done $0x0  }
0x88: {  	[sflag:s29] =	ssyncadd.s32 $0xFFFFC000  }
0x89: {  	[hbm4b:s3+s26] =	stream.indirect.scatter [tilespmem:s20], [sflag:$0x8], $0x80, s26, s26, $0xb8;
	[tilespmem:$0x1A800] =	vst v63  }
0x8a: {  	_ = 	snop  }
0x8b: {  	[hbm4b:s4+s26] =	stream.indirect.scatter [tilespmem:s21], [sflag:$0xB], $0x80, s26, s26, $0xb8;
	[tilespmem:$0x1A800] =	vst v63  }
0x8c: {  	_ =	swait.ge [sflag:s30], $0x4000  }
0x8d: {  	[sflag:s30] =	ssyncset.done $0x0  }
0x8e: {  	[sflag:s30] =	ssyncadd.s32 $0xFFFFC000  }
0x8f: {  	_ =	swait.ge [sflag:s31], $0x4000  }
0x90: {  	s13 =	rddreg [dreg:$0x6]  }
0x91: {  	s14 =	rddreg [dreg:$0x7];
	[sflag:s31] =	ssyncset.done $0x0;
	s9 =	sadd.s32 $0x0, s13  }
0x92: {  	[sflag:s31] =	ssyncadd.s32 $0xFFFFC000;
	s14 =	sadd.s32 $0x0, s14;
	s15 =	sadd.s32 $0x1800, s9  }
0x93: {  	[tilespmem:s18], [sflag:$0x1] =	stream.linear.gather [hbm4b:s15+s5], $0x4000, $0x38;
	[tilespmem:$0x1A800] =	vst v63  }
0x94: {  	s12 =	sadd.s32 $0x1800, s14  }
0x95: {  	[tilespmem:s19], [sflag:$0x4] =	stream.linear.gather [hbm4b:s12+s5], $0x4000, $0x38;
	[tilespmem:$0x1A800] =	vst v63  }
0x96: {  	_ =	swait.ge [sflag:s0], $0x4000  }
0x97: {  	[sflag:s0] =	ssyncset.done $0x0  }
0x98: {  	[sflag:s0] =	ssyncadd.s32 $0xFFFFC000  }
0x99: {  	_ =	swait.ge [sflag:s2], $0x4000  }
0x9a: {  	[sflag:s2] =	ssyncset.done $0x0  }
0x9b: {  	s12 =	simm.s32 $0x100;
	[sflag:s2] =	ssyncadd.s32 $0xFFFFC000  }
0x9c: {  	[hbm4b:s3+s26] =	stream.indirect.scatter [tilespmem:s22], [sflag:$0x9], $0x80, s12, s26, $0xb8;
	[tilespmem:$0x1A800] =	vst v63  }
0x9d: {  	_ = 	snop  }
0x9e: {  	[hbm4b:s4+s26] =	stream.indirect.scatter [tilespmem:s23], [sflag:$0xC], $0x80, s12, s26, $0xb8;
	[tilespmem:$0x1A800] =	vst v63  }
0x9f: {  	_ =	swait.ge [sflag:s1], $0x4000  }
0xa0: {  	[sflag:s1] =	ssyncset.done $0x0  }
0xa1: {  	[sflag:s1] =	ssyncadd.s32 $0xFFFFC000  }
0xa2: {  	_ =	swait.ge [sflag:s16], $0x4000  }
0xa3: {  	[sflag:s16] =	ssyncset.done $0x0  }
0xa4: {  	s10 =	sadd.s32 $0x2000, s9;
	[sflag:s16] =	ssyncadd.s32 $0xFFFFC000  }
0xa5: {  	[tilespmem:s20], [sflag:$0x2] =	stream.linear.gather [hbm4b:s10+s5], $0x4000, $0x38;
	[tilespmem:$0x1A800] =	vst v63  }
0xa6: {  	s15 =	sadd.s32 $0x2000, s14  }
0xa7: {  	[tilespmem:s21], [sflag:$0x5] =	stream.linear.gather [hbm4b:s15+s5], $0x4000, $0x38;
	[tilespmem:$0x1A800] =	vst v63  }
0xa8: {  	_ =	swait.ge [sflag:s24], $0x4000  }
0xa9: {  	[sflag:s24] =	ssyncset.done $0x0  }
0xaa: {  	[sflag:s24] =	ssyncadd.s32 $0xFFFFC000  }
0xab: {  	_ =	swait.ge [sflag:s25], $0x4000  }
0xac: {  	[sflag:s25] =	ssyncset.done $0x0  }
0xad: {  	s10 =	simm.s32 $0x180;
	[sflag:s25] =	ssyncadd.s32 $0xFFFFC000  }
0xae: {  	[hbm4b:s3+s26] =	stream.indirect.scatter [tilespmem:s18], [sflag:$0x7], $0x80, s10, s26, $0xb8;
	[tilespmem:$0x1A800] =	vst v63  }
0xaf: {  	_ = 	snop  }
0xb0: {  	[hbm4b:s4+s26] =	stream.indirect.scatter [tilespmem:s19], [sflag:$0xA], $0x80, s10, s26, $0xb8;
	[tilespmem:$0x1A800] =	vst v63  }
0xb1: {  	_ =	swait.ge [sflag:s7], $0x4000  }
0xb2: {  	[sflag:s7] =	ssyncset.done $0x0  }
0xb3: {  	[sflag:s7] =	ssyncadd.s32 $0xFFFFC000  }
0xb4: {  	_ =	swait.ge [sflag:s8], $0x4000  }
0xb5: {  	[sflag:s8] =	ssyncset.done $0x0  }
0xb6: {  	s9 =	sadd.s32 $0x2800, s9;
	[sflag:s8] =	ssyncadd.s32 $0xFFFFC000  }
0xb7: {  	[tilespmem:s22], [sflag:$0x3] =	stream.linear.gather [hbm4b:s9+s5], $0x4000, $0x38;
	[tilespmem:$0x1A800] =	vst v63  }
0xb8: {  	s15 =	sadd.s32 $0x2800, s14  }
0xb9: {  	[tilespmem:s23], [sflag:$0x6] =	stream.linear.gather [hbm4b:s15+s5], $0x4000, $0x38;
	[tilespmem:$0x1A800] =	vst v63  }
0xba: {  	_ =	swait.ge [sflag:s28], $0x4000  }
0xbb: {  	[sflag:s28] =	ssyncset.done $0x0  }
0xbc: {  	[sflag:s28] =	ssyncadd.s32 $0xFFFFC000  }
0xbd: {  	_ =	swait.ge [sflag:s29], $0x4000  }
0xbe: {  	[sflag:s29] =	ssyncset.done $0x0  }
0xbf: {  	s13 =	simm.s32 $0x1800;
	s9 =	simm.s32 $0x200;
	[sflag:s29] =	ssyncadd.s32 $0xFFFFC000  }
0xc0: {  	[hbm4b:s3+s26] =	stream.indirect.scatter [tilespmem:s20], [sflag:$0x8], $0x80, s9, s26, $0xb8;
	[tilespmem:$0x1A800] =	vst v63  }
.LBB2_4:
0xc1: {  	[hbm4b:s4+s26] =	stream.indirect.scatter [tilespmem:s21], [sflag:$0xB], $0x80, s9, s26, $0xb8;
	[tilespmem:$0x1A800] =	vst v63  }
0xc2: {  	_ =	swait.ge [sflag:s30], $0x4000  }
0xc3: {  	[sflag:s30] =	ssyncset.done $0x0  }
0xc4: {  	[sflag:s30] =	ssyncadd.s32 $0xFFFFC000  }
0xc5: {  	_ =	swait.ge [sflag:s31], $0x4000  }
0xc6: {  	s15 =	smov.u32 s13;
	s14 =	rddreg [dreg:$0x6]  }
0xc7: {  	s10 =	rddreg [dreg:$0x7];
	[sflag:s31] =	ssyncset.done $0x0;
	s14 =	sadd.s32 s15, s14  }
0xc8: {  	[sflag:s31] =	ssyncadd.s32 $0xFFFFC000;
	s15 =	sadd.s32 s15, s10;
	s9 =	sadd.s32 $0x1800, s14  }
0xc9: {  	[tilespmem:s18], [sflag:$0x1] =	stream.linear.gather [hbm4b:s9+s5], $0x4000, $0x38;
	[tilespmem:$0x1A800] =	vst v63  }
0xca: {  	s10 =	sadd.s32 $0x1800, s15  }
0xcb: {  	[tilespmem:s19], [sflag:$0x4] =	stream.linear.gather [hbm4b:s10+s5], $0x4000, $0x38;
	[tilespmem:$0x1A800] =	vst v63  }
0xcc: {  	_ =	swait.ge [sflag:s0], $0x4000  }
0xcd: {  	[sflag:s0] =	ssyncset.done $0x0  }
0xce: {  	[sflag:s0] =	ssyncadd.s32 $0xFFFFC000  }
0xcf: {  	_ =	swait.ge [sflag:s2], $0x4000  }
0xd0: {  	[sflag:s2] =	ssyncset.done $0x0  }
0xd1: {  	s12 =	sadd.s32 $0x180, s12;
	[sflag:s2] =	ssyncadd.s32 $0xFFFFC000  }
0xd2: {  	[hbm4b:s3+s26] =	stream.indirect.scatter [tilespmem:s22], [sflag:$0x9], $0x80, s12, s26, $0xb8;
	[tilespmem:$0x1A800] =	vst v63  }
0xd3: {  	_ = 	snop  }
0xd4: {  	[hbm4b:s4+s26] =	stream.indirect.scatter [tilespmem:s23], [sflag:$0xC], $0x80, s12, s26, $0xb8;
	[tilespmem:$0x1A800] =	vst v63  }
0xd5: {  	_ =	swait.ge [sflag:s1], $0x4000  }
0xd6: {  	[sflag:s1] =	ssyncset.done $0x0  }
0xd7: {  	[sflag:s1] =	ssyncadd.s32 $0xFFFFC000  }
0xd8: {  	_ =	swait.ge [sflag:s16], $0x4000  }
0xd9: {  	[sflag:s16] =	ssyncset.done $0x0  }
0xda: {  	s9 =	sadd.s32 $0x2000, s14;
	[sflag:s16] =	ssyncadd.s32 $0xFFFFC000  }
0xdb: {  	[tilespmem:s20], [sflag:$0x2] =	stream.linear.gather [hbm4b:s9+s5], $0x4000, $0x38;
	[tilespmem:$0x1A800] =	vst v63  }
0xdc: {  	s10 =	sadd.s32 $0x2000, s15  }
0xdd: {  	[tilespmem:s21], [sflag:$0x5] =	stream.linear.gather [hbm4b:s10+s5], $0x4000, $0x38;
	[tilespmem:$0x1A800] =	vst v63  }
0xde: {  	_ =	swait.ge [sflag:s24], $0x4000  }
0xdf: {  	[sflag:s24] =	ssyncset.done $0x0  }
0xe0: {  	[sflag:s24] =	ssyncadd.s32 $0xFFFFC000  }
0xe1: {  	_ =	swait.ge [sflag:s25], $0x4000  }
0xe2: {  	[sflag:s25] =	ssyncset.done $0x0  }
0xe3: {  	s10 =	sadd.s32 $0x80, s12;
	[sflag:s25] =	ssyncadd.s32 $0xFFFFC000  }
0xe4: {  	[hbm4b:s3+s26] =	stream.indirect.scatter [tilespmem:s18], [sflag:$0x7], $0x80, s10, s26, $0xb8;
	[tilespmem:$0x1A800] =	vst v63  }
0xe5: {  	_ = 	snop  }
0xe6: {  	[hbm4b:s4+s26] =	stream.indirect.scatter [tilespmem:s19], [sflag:$0xA], $0x80, s10, s26, $0xb8;
	[tilespmem:$0x1A800] =	vst v63  }
0xe7: {  	_ =	swait.ge [sflag:s7], $0x4000  }
0xe8: {  	[sflag:s7] =	ssyncset.done $0x0  }
0xe9: {  	[sflag:s7] =	ssyncadd.s32 $0xFFFFC000  }
0xea: {  	_ =	swait.ge [sflag:s8], $0x4000  }
0xeb: {  	[sflag:s8] =	ssyncset.done $0x0  }
0xec: {  	s14 =	sadd.s32 $0x2800, s14;
	[sflag:s8] =	ssyncadd.s32 $0xFFFFC000  }
0xed: {  	[tilespmem:s22], [sflag:$0x3] =	stream.linear.gather [hbm4b:s14+s5], $0x4000, $0x38;
	[tilespmem:$0x1A800] =	vst v63  }
0xee: {  	s15 =	sadd.s32 $0x2800, s15  }
0xef: {  	[tilespmem:s23], [sflag:$0x6] =	stream.linear.gather [hbm4b:s15+s5], $0x4000, $0x38;
	[tilespmem:$0x1A800] =	vst v63  }
0xf0: {  	_ =	swait.ge [sflag:s28], $0x4000  }
0xf1: {  	p0 =	sne.s32 s13, $0x1C800;
	[sflag:s28] =	ssyncset.done $0x0  }
.Ltmp1:
0xf2: {  	[sflag:s28] =	ssyncadd.s32 $0xFFFFC000;
	(pc) =	sbr.rel @p0 .LBB2_4-.Ltmp1, $4  }
0xf3: {  	_ =	swait.ge [sflag:s29], $0x4000  }
0xf4: {  	[sflag:s29] =	ssyncset.done $0x0  }
0xf5: {  	s13 =	sadd.s32 $0x1800, s13;
	s9 =	sadd.s32 $0x100, s12;
	[sflag:s29] =	ssyncadd.s32 $0xFFFFC000  }
0xf6: {  	[hbm4b:s3+s26] =	stream.indirect.scatter [tilespmem:s20], [sflag:$0x8], $0x80, s9, s26, $0xb8;
	[tilespmem:$0x1A800] =	vst v63  }
0xf7: {  	[hbm4b:s4+s26] =	stream.indirect.scatter [tilespmem:s21], [sflag:$0xB], $0x80, s9, s26, $0xb8;
	[tilespmem:$0x1A800] =	vst v63  }
0xf8: {  	_ =	swait.ge [sflag:s30], $0x4000  }
0xf9: {  	[sflag:s30] =	ssyncset.done $0x0  }
0xfa: {  	[sflag:s30] =	ssyncadd.s32 $0xFFFFC000  }
0xfb: {  	_ =	swait.ge [sflag:s31], $0x4000  }
0xfc: {  	[sflag:s31] =	ssyncset.done $0x0  }
0xfd: {  	s10 =	rddreg [dreg:$0xe];
	[sflag:s31] =	ssyncadd.s32 $0xFFFFC000  }
0xfe: {  	[tilespmem:s18], [sflag:$0x1] =	stream.linear.gather [hbm4b:s10+s5], $0x4000, $0x38;
	[tilespmem:$0x1A800] =	vst v63  }
0xff: {  	s12 =	rddreg [dreg:$0xf]  }
0x100: {  	[tilespmem:s19], [sflag:$0x4] =	stream.linear.gather [hbm4b:s12+s5], $0x4000, $0x38;
	[tilespmem:$0x1A800] =	vst v63  }
0x101: {  	_ =	swait.ge [sflag:s0], $0x4000  }
0x102: {  	[sflag:s0] =	ssyncset.done $0x0  }
0x103: {  	[sflag:s0] =	ssyncadd.s32 $0xFFFFC000  }
0x104: {  	_ =	swait.ge [sflag:s2], $0x4000  }
0x105: {  	[sflag:s2] =	ssyncset.done $0x0  }
0x106: {  	s13 =	simm.s32 $0x1F00;
	[sflag:s2] =	ssyncadd.s32 $0xFFFFC000  }
0x107: {  	[hbm4b:s3+s26] =	stream.indirect.scatter [tilespmem:s22], [sflag:$0x9], $0x80, s13, s26, $0xb8;
	[tilespmem:$0x1A800] =	vst v63  }
0x108: {  	_ = 	snop  }
0x109: {  	[hbm4b:s4+s26] =	stream.indirect.scatter [tilespmem:s23], [sflag:$0xC], $0x80, s13, s26, $0xb8;
	[tilespmem:$0x1A800] =	vst v63  }
0x10a: {  	_ =	swait.ge [sflag:s1], $0x4000  }
0x10b: {  	[sflag:s1] =	ssyncset.done $0x0  }
0x10c: {  	[sflag:s1] =	ssyncadd.s32 $0xFFFFC000  }
0x10d: {  	_ =	swait.ge [sflag:s16], $0x4000  }
0x10e: {  	[sflag:s16] =	ssyncset.done $0x0  }
0x10f: {  	[sflag:s16] =	ssyncadd.s32 $0xFFFFC000  }
0x110: {  	_ =	swait.ge [sflag:s24], $0x4000  }
0x111: {  	[sflag:s24] =	ssyncset.done $0x0  }
0x112: {  	[sflag:s24] =	ssyncadd.s32 $0xFFFFC000  }
0x113: {  	_ =	swait.ge [sflag:s25], $0x4000  }
0x114: {  	[sflag:s25] =	ssyncset.done $0x0  }
0x115: {  	s14 =	simm.s32 $0x1F80;
	[sflag:s25] =	ssyncadd.s32 $0xFFFFC000  }
0x116: {  	[hbm4b:s3+s26] =	stream.indirect.scatter [tilespmem:s18], [sflag:$0x7], $0x80, s14, s26, $0xb8;
	[tilespmem:$0x1A800] =	vst v63  }
0x117: {  	_ = 	snop  }
0x118: {  	[hbm4b:s4+s26] =	stream.indirect.scatter [tilespmem:s19], [sflag:$0xA], $0x80, s14, s26, $0xb8;
	[tilespmem:$0x1A800] =	vst v63  }
0x119: {  	_ =	swait.ge [sflag:s7], $0x4000  }
0x11a: {  	[sflag:s7] =	ssyncset.done $0x0  }
0x11b: {  	[sflag:s7] =	ssyncadd.s32 $0xFFFFC000  }
0x11c: {  	_ =	swait.ge [sflag:s8], $0x4000  }
0x11d: {  	[sflag:s8] =	ssyncset.done $0x0  }
0x11e: {  	[sflag:s8] =	ssyncadd.s32 $0xFFFFC000  }
0x11f: {  	_ =	swait.ge [sflag:s30], $0x4000  }
0x120: {  	[sflag:s30] =	ssyncset.done $0x0  }
0x121: {  	[sflag:s30] =	ssyncadd.s32 $0xFFFFC000  }
0x122: {  	_ =	swait.ge [sflag:s31], $0x4000  }
0x123: {  	s11 =	sadd.s32 $0x1, s11;
	s15 =	rddreg [dreg:$0x10]  }
0x124: {  	p0 =	sne.s32 s11, s15  }
.Ltmp2:
0x125: {  	_ = 	snop;
	(pc) =	sbr.rel @p0 .LBB2_1-.Ltmp2, $3  }
0x126: {  	_ =	sdelay $0x1  }
0x127: {  	[sflag:s31] =	ssyncset.done $0x0  }
0x128: {  	[sflag:s31] =	ssyncadd.s32 $0xFFFFC000  }
0x129: {  	_ =	sfence.sel $0x180000  }
0x12a: {  	[bflag:$0x0] =	sbarrier.arrive $0xFFFF  }
0x12b: {  	_ =	strace $0x90000047  }
0x12c: {  	s0 =	stileid.u32;
	[bflag:$0x2] =	sbarrier.arrive $0xFFFF  }
0x12d: {  	p0 =	sne.s32 s0, $0x0;
	s0 =	rddreg [dreg:$0x5]  }
0x12e: {  	s0 =	sadd.s32 @!p0 $0x100000, s0  }
0x12f: {  	[sflag:s0] =	ssyncadd.tile.s32 @!p0 $0x1;
	_ =	shalt  }
.Lfunc_end2:
_tile_overlayer_lowered:
.L_overlay_start_2:
0x130: {  	(tag) =	ssettag $0x2  }
0x131: {  	s0 =	rddreg [dreg:$0x0];
	s2 =	stileid.u32  }
0x132: {  	s1 =	rddreg [dreg:$0x1];
	p0 =	sne.s32 s2, $0x0  }
0x133: {  	s3 =	rddreg [dreg:$0x2];
	[bflag:$0x3] =	sbarrier.arrive $0xFFFF;
	s2 =	simm.s32 @!p0 $0x1C0D  }
0x134: {  	[timem:s3], [sflag:s2] =	dma.local @!p0 [hbm:s0], s1  }
0x135: {  	s0 =	simm.s32 @!p0 $0xD  }
0x136: {  	_ =	swait.ge @!p0 [sflag:s0], s1  }
0x137: {  	s1 =	ssub.s32 @!p0 $0x0, s1;
	[sflag:s0] =	ssyncset.done @!p0 $0x0  }
0x138: {  	[sflag:s0] =	ssyncadd.s32 @!p0 s1  }
0x139: {  	[bflag:$0x3] =	sbarrier.arrive $0xFFFF  }
0x13a: {  	_ =	shalt  }

</sc_bundles>
